<compile_context>
chip_gen: v7x
topology: tpu7x:2x2x1
jax: 0.10.2.dev20260603
libtpu: 0.0.44.dev20260713+nightly
codegen_flags: <defaults>
</compile_context>

<pallas_src>
import functools
import jax
import jax.numpy as jnp
from jax import lax
from jax.experimental import pallas as pl
from jax.experimental.pallas import tpu as pltpu
from jax.experimental.pallas import tpu_sc as plsc

L = 16


def _round_bf16(x):
    return x.astype(jnp.bfloat16).astype(jnp.float32)



def _group_fold(prod, f):
    g = (lax.broadcasted_iota(jnp.int32, (4 * f, 4), 0) // f
         == lax.broadcasted_iota(jnp.int32, (4 * f, 4), 1)).astype(jnp.float32)
    return lax.dot_general(prod, g, (((1,), (0,)), ((), ())),
                           preferred_element_type=jnp.float32)


def _fold_lanes(v, f):
    h = (lax.broadcasted_iota(jnp.int32, (4 * f, f), 0) % f
         == lax.broadcasted_iota(jnp.int32, (4 * f, f), 1)).astype(jnp.float32)
    return lax.dot_general(v, h, (((1,), (0,)), ((), ())),
                           preferred_element_type=jnp.float32)


def _tc_stage1_body(flow_ref, s_ref):
    r = flow_ref.shape[1]
    f = flow_ref.shape[2] // 4
    xr = _round_bf16(flow_ref[...])
    mu128 = jnp.sum(xr, axis=1)
    mu32 = _fold_lanes(mu128, f) / jnp.float32(4 * r)
    mut = jnp.concatenate([mu32] * 4, axis=1)[None]
    s4 = _group_fold((xr * mut)[0], f)
    s_ref[...] = s4[None]


def _tc_stage2_body(sup_ref, km_ref, suprgb_ref, krgb_ref, out_ref):
    r = sup_ref.shape[1]
    f = km_ref.shape[2]
    xr = _round_bf16(sup_ref[...])
    kmt = jnp.concatenate([km_ref[...]] * 4, axis=2)
    s4 = _group_fold((xr * kmt)[0], f)
    iota_n = (lax.broadcasted_iota(jnp.int32, (r, 4), 0) * 4
              + lax.broadcasted_iota(jnp.int32, (r, 4), 1))
    big = jnp.int32(2 ** 30)
    m1 = jnp.max(s4)
    i1 = jnp.min(jnp.where(s4 == m1, iota_n, big))
    s2 = jnp.where(iota_n == i1, -jnp.inf, s4)
    m2 = jnp.max(s2)
    i2 = jnp.min(jnp.where(s2 == m2, iota_n, big))
    rgb = suprgb_ref[...]
    iota_fl = (lax.broadcasted_iota(jnp.int32, (1, r, 4 * f), 1) * 4
               + lax.broadcasted_iota(jnp.int32, (1, r, 4 * f), 2) // f)

    def pick(i):
        sel = jnp.sum(jnp.where(iota_fl == i, rgb, 0.0), axis=1)
        return _fold_lanes(sel, f)[None]

    out_ref[...] = jnp.concatenate([krgb_ref[...], pick(i1), pick(i2)], axis=1)


def _stage1_scores(flow):
    b, n, f = flow.shape
    r = n // 4
    s = pl.pallas_call(
        _tc_stage1_body,
        grid=(b,),
        in_specs=[pl.BlockSpec((1, r, 4 * f), lambda i: (i, 0, 0))],
        out_specs=pl.BlockSpec((1, r, 4), lambda i: (i, 0, 0)),
        out_shape=jax.ShapeDtypeStruct((b, r, 4), jnp.float32),
    )(flow.reshape(b, r, 4 * f))
    return s.reshape(b, n)


def _stage2_select(sup_flow, kmean, sup_rgb, krgb):
    b, m, f = sup_flow.shape
    r = m // 4
    return pl.pallas_call(
        _tc_stage2_body,
        grid=(b,),
        in_specs=[
            pl.BlockSpec((1, r, 4 * f), lambda i: (i, 0, 0)),
            pl.BlockSpec((1, 1, f), lambda i: (i, 0, 0)),
            pl.BlockSpec((1, r, 4 * f), lambda i: (i, 0, 0)),
            pl.BlockSpec((1, 3, f), lambda i: (i, 0, 0)),
        ],
        out_specs=pl.BlockSpec((1, 5, f), lambda i: (i, 0, 0)),
        out_shape=jax.ShapeDtypeStruct((b, 5, f), jnp.float32),
    )(sup_flow.reshape(b, r, 4 * f), kmean.reshape(b, 1, f),
      sup_rgb.reshape(b, r, 4 * f), krgb)



def _sc_round_bf16(x):
    w = plsc.bitcast(x, jnp.int32)
    tie = lax.shift_right_logical(w, 16) & jnp.int32(1)
    wr = (w + jnp.int32(0x7FFF) + tie) & jnp.int32(-65536)
    return plsc.bitcast(wr, jnp.float32)


def _lane_iota():
    return lax.iota(jnp.int32, 16)


def _scan_topk(s_v, n, k, largest):
    groups = n // L
    sentinel = jnp.float32(-jnp.inf) if largest else jnp.float32(jnp.inf)
    iota = _lane_iota()

    def better(a, bv):
        return a > bv if largest else a < bv

    def body(g, carry):
        m1, i1, m2, i2, m3, i3 = carry
        s = s_v[pl.ds(g * L, L)]
        nvec = g * L + iota
        c1 = better(s, m1)
        c2 = better(s, m2)
        c3 = better(s, m3)
        nm3 = jnp.where(c2, m2, jnp.where(c3, s, m3))
        ni3 = jnp.where(c2, i2, jnp.where(c3, nvec, i3))
        nm2 = jnp.where(c1, m1, jnp.where(c2, s, m2))
        ni2 = jnp.where(c1, i1, jnp.where(c2, nvec, i2))
        nm1 = jnp.where(c1, s, m1)
        ni1 = jnp.where(c1, nvec, i1)
        return nm1, ni1, nm2, ni2, nm3, ni3

    full = jnp.full((L,), sentinel, jnp.float32)
    zero = jnp.zeros((L,), jnp.int32)
    m1, i1, m2, i2, m3, i3 = lax.fori_loop(
        0, groups, body, (full, zero, full, zero, full, zero))

    idx_g = jnp.zeros((L,), jnp.int32)
    big = jnp.int32(2 ** 30)
    for r in range(k):
        gbest = jnp.max(m1) if largest else jnp.min(m1)
        isel = jnp.min(jnp.where(m1 == gbest, i1, big))
        upd = (m1 == gbest) & (i1 == isel)
        idx_g = jnp.where(iota == r, isel, idx_g)
        m1 = jnp.where(upd, m2, m1)
        i1 = jnp.where(upd, i2, i1)
        m2 = jnp.where(upd, m3, m2)
        i2 = jnp.where(upd, i3, i2)
        m3 = jnp.where(upd, jnp.full((L,), sentinel, jnp.float32), m3)
    return idx_g



def _make_sc1(b, n, f):
    mesh = plsc.VectorSubcoreMesh(core_axis_name="c", subcore_axis_name="s")

    @functools.partial(
        pl.kernel,
        mesh=mesh,
        out_type=(
            jax.ShapeDtypeStruct((b, 3, f), jnp.float32),
            jax.ShapeDtypeStruct((b, f), jnp.float32),
        ),
        compiler_params=pltpu.CompilerParams(needs_layout_passes=False, use_tc_tiling_on_sc=False),
        scratch_types=[
            pltpu.VMEM((n,), jnp.float32),
            pltpu.VMEM((L, f), jnp.float32),
            pltpu.VMEM((L, f), jnp.float32),
            pltpu.VMEM((2 * L,), jnp.float32),
            pltpu.SemaphoreType.DMA,
            pltpu.SemaphoreType.DMA,
        ],
    )
    def sc1(s_hbm, rgb_hbm, flow_hbm, krgb_hbm, km_hbm, s_v, rows_rgb,
            rows_flow, km_v, sem1, sem2):
        cid = lax.axis_index("c")
        sid = lax.axis_index("s")

        @pl.when(cid == 0)
        def _():
            batch = sid
            pltpu.sync_copy(s_hbm.at[batch], s_v)
            idx_g = _scan_topk(s_v, n, 3, largest=False)
            cp1 = pltpu.async_copy(rgb_hbm.at[batch].at[idx_g], rows_rgb, sem1)
            cp2 = pltpu.async_copy(flow_hbm.at[batch].at[idx_g], rows_flow, sem2)
            cp1.wait()
            cp2.wait()
            for h in range(2):
                acc = jnp.zeros((L,), jnp.float32)
                for j in range(3):
                    acc = acc + _sc_round_bf16(rows_flow[j, pl.ds(h * L, L)])
                km_v[pl.ds(h * L, L)] = acc / jnp.float32(3.0)
            pltpu.sync_copy(rows_rgb.at[pl.ds(0, 3)], krgb_hbm.at[batch])
            pltpu.sync_copy(km_v, km_hbm.at[batch])

    return sc1



def kernel(ref_rgb_feat, ref_flow_feat, sup_rgb_feat, sup_flow_feat):
    b, n, f = ref_flow_feat.shape
    m = sup_flow_feat.shape[1]

    s1 = _stage1_scores(ref_flow_feat)
    krgb, kmean = _make_sc1(b, n, f)(s1, ref_rgb_feat, ref_flow_feat)
    return _stage2_select(sup_flow_feat, kmean, sup_rgb_feat, krgb)

# --- scband reference (transcript-rebuilt; emitter-appended) ---
"""Pipeline reference for scband-fusion-89017492177331 (READ-ONLY COPY).

The authoritative reference and input builder live on the scoring server;
editing this copy changes nothing except your own understanding.
"""

import jax, jax.numpy as jnp
import numpy as np


def setup_inputs(seed: int = 0) -> dict:
    key = jax.random.key(seed)
    k1, k2, k3, k4 = jax.random.split(key, 4)
    B, N, M, F = 16, 4096, 4096, 32
    return {
        "ref_rgb_feat": jax.random.normal(k1, (B, N, F), dtype=jnp.float32),
        "ref_flow_feat": jax.random.normal(k2, (B, N, F), dtype=jnp.float32),
        "sup_rgb_feat": jax.random.normal(k3, (B, M, F), dtype=jnp.float32),
        "sup_flow_feat": jax.random.normal(k4, (B, M, F), dtype=jnp.float32),
    }


def reference(ref_rgb_feat, ref_flow_feat, sup_rgb_feat, sup_flow_feat):
    F = ref_rgb_feat.shape[-1]
    # intra similarity among reference flow features: [B, N, N]
    intra_sim = jnp.einsum('bnf,bmf->bnm', ref_flow_feat, ref_flow_feat)
    intra_sim = jnp.mean(intra_sim, axis=2)  # [B, N]
    intra_topK = 3
    # torch.topk(..., largest=False) -> smallest k: top_k of negated values
    _, k_idx = jax.lax.top_k(-intra_sim, intra_topK)  # [B, 3]
    k_idx_exp = k_idx[:, :, None]  # [B, 3, 1], broadcasts over F
    k_ref_rgb_feat = jnp.take_along_axis(ref_rgb_feat, k_idx_exp, axis=1)   # [B, 3, F]
    k_ref_flow_feat = jnp.take_along_axis(ref_flow_feat, k_idx_exp, axis=1)  # [B, 3, F]
    # inter similarity: [B, M, 3]
    inter_sim = jnp.einsum('bmf,bkf->bmk', sup_flow_feat, k_ref_flow_feat)
    inter_sim_mean = jnp.mean(inter_sim, axis=2)  # [B, M]
    inter_topK = 2
    _, k_idx2 = jax.lax.top_k(inter_sim_mean, inter_topK)  # [B, 2] largest
    k_idx2_exp = k_idx2[:, :, None]
    k_sup_rgb_feat = jnp.take_along_axis(sup_rgb_feat, k_idx2_exp, axis=1)  # [B, 2, F]
    fusion_rgb_feat = jnp.concatenate([k_ref_rgb_feat, k_sup_rgb_feat], axis=1)  # [B, 5, F]
    return fusion_rgb_feat

if __name__ == "__main__":
    import jax
    _d = setup_inputs()
    print(jax.jit(kernel)(*tuple(_d.values())))

</pallas_src>

<mosaic_0001>
#map = affine_map<(d0, d1) -> (0, 0)>
#map1 = affine_map<(d0, d1) -> (0, 0, 0)>
module attributes {stable_mosaic.version = 14 : i64} {
  func.func @sc1(%arg0: i32, %arg1: i32, %arg2: memref<16x4096xf32, #tpu.memory_space<hbm>>, %arg3: memref<16x4096x32xf32, #tpu.memory_space<hbm>>, %arg4: memref<16x4096x32xf32, #tpu.memory_space<hbm>>, %arg5: memref<16x3x32xf32, #tpu.memory_space<hbm>>, %arg6: memref<16x32xf32, #tpu.memory_space<hbm>>, %arg7: memref<4096xf32, #tpu.memory_space<vmem>>, %arg8: memref<16x32xf32, #tpu.memory_space<vmem>>, %arg9: memref<16x32xf32, #tpu.memory_space<vmem>>, %arg10: memref<32xf32, #tpu.memory_space<vmem>>, %arg11: memref<!tpu.dma_semaphore, #tpu.memory_space<semaphore_mem>>, %arg12: memref<!tpu.dma_semaphore, #tpu.memory_space<semaphore_mem>>) attributes {dimension_semantics = [#tpu.dimension_semantics<core_parallel>, #tpu.dimension_semantics<subcore_parallel>], iteration_bounds = array<i64: 2, 16>, scalar_prefetch = 0 : i64, scratch_operands = 6 : i64, tpu.core_type = #tpu.core_type<sc_vector_subcore>, window_params = [{transform_indices = #map}, {transform_indices = #map1}, {transform_indices = #map1}, {transform_indices = #map1}, {transform_indices = #map}]} {
    %eq3A = arith.constant 0 : i32
    %eq3A_0 = arith.cmpi eq, %arg0, %eq3A : i32
    %convert_element_type3A = arith.extui %eq3A_0 : i1 to i32
    %cond3A = arith.constant 0 : i32
    %cond3A_1 = arith.cmpi ne, %convert_element_type3A, %cond3A : i32
    scf.if %cond3A_1 {
      "tpu.region"() ({
        %run_scoped3A = tpu.sem_alloc : memref<!tpu.dma_semaphore, #tpu.memory_space<semaphore_mem>>
        %dma_start3A_264 = arith.constant 0 : i32
        %dma_start3A_265 = tpu.memref_slice %arg2[%arg1, %dma_start3A_264] : memref<16x4096xf32, #tpu.memory_space<hbm>> -> memref<1x4096xf32, #tpu.memory_space<hbm>>
        %dma_start3A_266 = tpu.memref_squeeze %dma_start3A_265 : memref<1x4096xf32, #tpu.memory_space<hbm>> -> memref<4096xf32, #tpu.memory_space<hbm>>
        %dma_start3A_267 = arith.constant 0 : i32
        %dma_start3A_268 = tpu.memref_slice %arg2[%arg1, %dma_start3A_267] : memref<16x4096xf32, #tpu.memory_space<hbm>> -> memref<1x4096xf32, #tpu.memory_space<hbm>>
        %dma_start3A_269 = tpu.memref_squeeze %dma_start3A_268 : memref<1x4096xf32, #tpu.memory_space<hbm>> -> memref<4096xf32, #tpu.memory_space<hbm>>
        tpu.enqueue_dma source(%dma_start3A_269 : memref<4096xf32, #tpu.memory_space<hbm>>) target(%arg7 : memref<4096xf32, #tpu.memory_space<vmem>>) target_semaphore(%run_scoped3A : memref<!tpu.dma_semaphore, #tpu.memory_space<semaphore_mem>>)
        %dma_wait3A_270 = arith.constant 0 : i32
        %dma_wait3A_271 = tpu.memref_slice %arg2[%arg1, %dma_wait3A_270] : memref<16x4096xf32, #tpu.memory_space<hbm>> -> memref<1x4096xf32, #tpu.memory_space<hbm>>
        %dma_wait3A_272 = tpu.memref_squeeze %dma_wait3A_271 : memref<1x4096xf32, #tpu.memory_space<hbm>> -> memref<4096xf32, #tpu.memory_space<hbm>>
        %dma_wait3A_273 = arith.constant 0 : i32
        %dma_wait3A_274 = tpu.memref_slice %arg2[%arg1, %dma_wait3A_273] : memref<16x4096xf32, #tpu.memory_space<hbm>> -> memref<1x4096xf32, #tpu.memory_space<hbm>>
        %dma_wait3A_275 = tpu.memref_squeeze %dma_wait3A_274 : memref<1x4096xf32, #tpu.memory_space<hbm>> -> memref<4096xf32, #tpu.memory_space<hbm>>
        tpu.wait_dma2 semaphore(%run_scoped3A : memref<!tpu.dma_semaphore, #tpu.memory_space<semaphore_mem>>) src(%dma_wait3A_275 : memref<4096xf32, #tpu.memory_space<hbm>>) dst(%arg7 : memref<4096xf32, #tpu.memory_space<vmem>>)
        tpu.yield
      }) : () -> ()
      %iota3A = tpu.iota {dimensions = array<i32: 0>} : vector<16xi32>
      %broadcast_in_dim3A = arith.constant 0x7F800000 : f32
      %broadcast_in_dim3A_2 = vector.broadcast %broadcast_in_dim3A : f32 to vector<16xf32>
      %broadcast_in_dim3A_3 = arith.constant 0 : i32
      %broadcast_in_dim3A_4 = vector.broadcast %broadcast_in_dim3A_3 : i32 to vector<16xi32>
      %scan3A = arith.constant 0 : i32
      %scan3A_5 = arith.constant 256 : i32
      %scan3A_6 = arith.addi %scan3A, %scan3A_5 : i32
      %scan3A_7 = arith.constant 1 : i32
      %scan3A_8:6 = scf.for %scan3A_264 = %scan3A to %scan3A_6 step %scan3A_7 iter_args(%scan3A_265 = %broadcast_in_dim3A_2, %scan3A_266 = %broadcast_in_dim3A_4, %scan3A_267 = %broadcast_in_dim3A_2, %scan3A_268 = %broadcast_in_dim3A_4, %scan3A_269 = %broadcast_in_dim3A_2, %scan3A_270 = %broadcast_in_dim3A_4) -> (vector<16xf32>, vector<16xi32>, vector<16xf32>, vector<16xi32>, vector<16xf32>, vector<16xi32>)  : i32 {
        %mul3A = arith.constant 16 : i32
        %mul3A_271 = arith.muli %scan3A_264, %mul3A : i32
        %get3A_272 = arith.index_cast %mul3A_271 : i32 to index
        %get3A_273 = tpu.vector_load %arg7[%get3A_272] {strides = array<i32>} : memref<4096xf32, #tpu.memory_space<vmem>>, vector<16xf32>,
        %mul3A_274 = arith.constant 16 : i32
        %mul3A_275 = arith.muli %scan3A_264, %mul3A_274 : i32
        %add3A_276 = vector.broadcast %mul3A_275 : i32 to vector<16xi32>
        %add3A_277 = arith.addi %add3A_276, %iota3A : vector<16xi32>
        %lt3A = arith.cmpf olt, %get3A_273, %scan3A_265 : vector<16xf32>
        %lt3A_278 = arith.cmpf olt, %get3A_273, %scan3A_267 : vector<16xf32>
        %lt3A_279 = arith.cmpf olt, %get3A_273, %scan3A_269 : vector<16xf32>
        %select_n3A_280 = arith.select %lt3A_279, %get3A_273, %scan3A_269 : vector<16xi1>, vector<16xf32>
        %select_n3A_281 = arith.select %lt3A_278, %scan3A_267, %select_n3A_280 : vector<16xi1>, vector<16xf32>
        %select_n3A_282 = arith.select %lt3A_279, %add3A_277, %scan3A_270 : vector<16xi1>, vector<16xi32>
        %select_n3A_283 = arith.select %lt3A_278, %scan3A_268, %select_n3A_282 : vector<16xi1>, vector<16xi32>
        %select_n3A_284 = arith.select %lt3A_278, %get3A_273, %scan3A_267 : vector<16xi1>, vector<16xf32>
        %select_n3A_285 = arith.select %lt3A, %scan3A_265, %select_n3A_284 : vector<16xi1>, vector<16xf32>
        %select_n3A_286 = arith.select %lt3A_278, %add3A_277, %scan3A_268 : vector<16xi1>, vector<16xi32>
        %select_n3A_287 = arith.select %lt3A, %scan3A_266, %select_n3A_286 : vector<16xi1>, vector<16xi32>
        %select_n3A_288 = arith.select %lt3A, %get3A_273, %scan3A_265 : vector<16xi1>, vector<16xf32>
        %select_n3A_289 = arith.select %lt3A, %add3A_277, %scan3A_266 : vector<16xi1>, vector<16xi32>
        scf.yield %select_n3A_288, %select_n3A_289, %select_n3A_285, %select_n3A_287, %select_n3A_281, %select_n3A_283 : vector<16xf32>, vector<16xi32>, vector<16xf32>, vector<16xi32>, vector<16xf32>, vector<16xi32>
      }
      %scan3A_9 = arith.constant 256 : i32
      %broadcast_in_dim3A_10 = arith.constant 0 : i32
      %broadcast_in_dim3A_11 = vector.broadcast %broadcast_in_dim3A_10 : i32 to vector<16xi32>
      %reduce_min3A = arith.constant true
      %reduce_min3A_12 = vector.broadcast %reduce_min3A : i1 to vector<16xi1>
      %reduce_min3A_13 = tpu.scan <min>, %scan3A_8#0 masked %reduce_min3A_12 : vector<16xf32>, vector<16xi1> -> vector<16xf32>
      %reduce_min3A_14 = vector.extract %reduce_min3A_13[15] : f32 from vector<16xf32>
      %eq3A_15 = vector.broadcast %reduce_min3A_14 : f32 to vector<16xf32>
      %eq3A_16 = arith.cmpf oeq, %scan3A_8#0, %eq3A_15 : vector<16xf32>
      %jit3A = arith.constant 1073741824 : i32
      %broadcast_in_dim3A_17 = vector.broadcast %jit3A : i32 to vector<16xi32>
      %select_n3A = arith.select %eq3A_16, %scan3A_8#1, %broadcast_in_dim3A_17 : vector<16xi1>, vector<16xi32>
      %reduce_min3A_18 = arith.constant true
      %reduce_min3A_19 = vector.broadcast %reduce_min3A_18 : i1 to vector<16xi1>
      %reduce_min3A_20 = arith.constant -2147483648 : i32
      %reduce_min3A_21 = vector.broadcast %reduce_min3A_20 : i32 to vector<16xi32>
      %reduce_min3A_22 = arith.xori %select_n3A, %reduce_min3A_21 : vector<16xi32>
      %reduce_min3A_23 = tpu.scan <min>, %reduce_min3A_22 masked %reduce_min3A_19 : vector<16xi32>, vector<16xi1> -> vector<16xi32>
      %reduce_min3A_24 = arith.xori %reduce_min3A_23, %reduce_min3A_21 : vector<16xi32>
      %reduce_min3A_25 = vector.extract %reduce_min3A_24[15] : i32 from vector<16xi32>
      %eq3A_26 = vector.broadcast %reduce_min3A_14 : f32 to vector<16xf32>
      %eq3A_27 = arith.cmpf oeq, %scan3A_8#0, %eq3A_26 : vector<16xf32>
      %eq3A_28 = vector.broadcast %reduce_min3A_25 : i32 to vector<16xi32>
      %eq3A_29 = arith.cmpi eq, %scan3A_8#1, %eq3A_28 : vector<16xi32>
      %and3A = arith.andi %eq3A_27, %eq3A_29 : vector<16xi1>
      %eq3A_30 = arith.constant 0 : i32
      %eq3A_31 = vector.broadcast %eq3A_30 : i32 to vector<16xi32>
      %eq3A_32 = arith.cmpi eq, %iota3A, %eq3A_31 : vector<16xi32>
      %broadcast_in_dim3A_33 = vector.broadcast %reduce_min3A_25 : i32 to vector<16xi32>
      %select_n3A_34 = arith.select %eq3A_32, %broadcast_in_dim3A_33, %broadcast_in_dim3A_11 : vector<16xi1>, vector<16xi32>
      %select_n3A_35 = arith.select %and3A, %scan3A_8#2, %scan3A_8#0 : vector<16xi1>, vector<16xf32>
      %select_n3A_36 = arith.select %and3A, %scan3A_8#3, %scan3A_8#1 : vector<16xi1>, vector<16xi32>
      %select_n3A_37 = arith.select %and3A, %scan3A_8#4, %scan3A_8#2 : vector<16xi1>, vector<16xf32>
      %select_n3A_38 = arith.select %and3A, %scan3A_8#5, %scan3A_8#3 : vector<16xi1>, vector<16xi32>
      %broadcast_in_dim3A_39 = arith.constant 0x7F800000 : f32
      %broadcast_in_dim3A_40 = vector.broadcast %broadcast_in_dim3A_39 : f32 to vector<16xf32>
      %select_n3A_41 = arith.select %and3A, %broadcast_in_dim3A_40, %scan3A_8#4 : vector<16xi1>, vector<16xf32>
      %reduce_min3A_42 = arith.constant true
      %reduce_min3A_43 = vector.broadcast %reduce_min3A_42 : i1 to vector<16xi1>
      %reduce_min3A_44 = tpu.scan <min>, %select_n3A_35 masked %reduce_min3A_43 : vector<16xf32>, vector<16xi1> -> vector<16xf32>
      %reduce_min3A_45 = vector.extract %reduce_min3A_44[15] : f32 from vector<16xf32>
      %eq3A_46 = vector.broadcast %reduce_min3A_45 : f32 to vector<16xf32>
      %eq3A_47 = arith.cmpf oeq, %select_n3A_35, %eq3A_46 : vector<16xf32>
      %jit3A_48 = arith.constant 1073741824 : i32
      %broadcast_in_dim3A_49 = vector.broadcast %jit3A_48 : i32 to vector<16xi32>
      %select_n3A_50 = arith.select %eq3A_47, %select_n3A_36, %broadcast_in_dim3A_49 : vector<16xi1>, vector<16xi32>
      %reduce_min3A_51 = arith.constant true
      %reduce_min3A_52 = vector.broadcast %reduce_min3A_51 : i1 to vector<16xi1>
      %reduce_min3A_53 = arith.constant -2147483648 : i32
      %reduce_min3A_54 = vector.broadcast %reduce_min3A_53 : i32 to vector<16xi32>
      %reduce_min3A_55 = arith.xori %select_n3A_50, %reduce_min3A_54 : vector<16xi32>
      %reduce_min3A_56 = tpu.scan <min>, %reduce_min3A_55 masked %reduce_min3A_52 : vector<16xi32>, vector<16xi1> -> vector<16xi32>
      %reduce_min3A_57 = arith.xori %reduce_min3A_56, %reduce_min3A_54 : vector<16xi32>
      %reduce_min3A_58 = vector.extract %reduce_min3A_57[15] : i32 from vector<16xi32>
      %eq3A_59 = vector.broadcast %reduce_min3A_45 : f32 to vector<16xf32>
      %eq3A_60 = arith.cmpf oeq, %select_n3A_35, %eq3A_59 : vector<16xf32>
      %eq3A_61 = vector.broadcast %reduce_min3A_58 : i32 to vector<16xi32>
      %eq3A_62 = arith.cmpi eq, %select_n3A_36, %eq3A_61 : vector<16xi32>
      %and3A_63 = arith.andi %eq3A_60, %eq3A_62 : vector<16xi1>
      %eq3A_64 = arith.constant 1 : i32
      %eq3A_65 = vector.broadcast %eq3A_64 : i32 to vector<16xi32>
      %eq3A_66 = arith.cmpi eq, %iota3A, %eq3A_65 : vector<16xi32>
      %broadcast_in_dim3A_67 = vector.broadcast %reduce_min3A_58 : i32 to vector<16xi32>
      %select_n3A_68 = arith.select %eq3A_66, %broadcast_in_dim3A_67, %select_n3A_34 : vector<16xi1>, vector<16xi32>
      %select_n3A_69 = arith.select %and3A_63, %select_n3A_37, %select_n3A_35 : vector<16xi1>, vector<16xf32>
      %select_n3A_70 = arith.select %and3A_63, %select_n3A_38, %select_n3A_36 : vector<16xi1>, vector<16xi32>
      %select_n3A_71 = arith.select %and3A_63, %select_n3A_41, %select_n3A_37 : vector<16xi1>, vector<16xf32>
      %select_n3A_72 = arith.select %and3A_63, %scan3A_8#5, %select_n3A_38 : vector<16xi1>, vector<16xi32>
      %broadcast_in_dim3A_73 = arith.constant 0x7F800000 : f32
      %broadcast_in_dim3A_74 = vector.broadcast %broadcast_in_dim3A_73 : f32 to vector<16xf32>
      %select_n3A_75 = arith.select %and3A_63, %broadcast_in_dim3A_74, %select_n3A_41 : vector<16xi1>, vector<16xf32>
      %reduce_min3A_76 = arith.constant true
      %reduce_min3A_77 = vector.broadcast %reduce_min3A_76 : i1 to vector<16xi1>
      %reduce_min3A_78 = tpu.scan <min>, %select_n3A_69 masked %reduce_min3A_77 : vector<16xf32>, vector<16xi1> -> vector<16xf32>
      %reduce_min3A_79 = vector.extract %reduce_min3A_78[15] : f32 from vector<16xf32>
      %eq3A_80 = vector.broadcast %reduce_min3A_79 : f32 to vector<16xf32>
      %eq3A_81 = arith.cmpf oeq, %select_n3A_69, %eq3A_80 : vector<16xf32>
      %jit3A_82 = arith.constant 1073741824 : i32
      %broadcast_in_dim3A_83 = vector.broadcast %jit3A_82 : i32 to vector<16xi32>
      %select_n3A_84 = arith.select %eq3A_81, %select_n3A_70, %broadcast_in_dim3A_83 : vector<16xi1>, vector<16xi32>
      %reduce_min3A_85 = arith.constant true
      %reduce_min3A_86 = vector.broadcast %reduce_min3A_85 : i1 to vector<16xi1>
      %reduce_min3A_87 = arith.constant -2147483648 : i32
      %reduce_min3A_88 = vector.broadcast %reduce_min3A_87 : i32 to vector<16xi32>
      %reduce_min3A_89 = arith.xori %select_n3A_84, %reduce_min3A_88 : vector<16xi32>
      %reduce_min3A_90 = tpu.scan <min>, %reduce_min3A_89 masked %reduce_min3A_86 : vector<16xi32>, vector<16xi1> -> vector<16xi32>
      %reduce_min3A_91 = arith.xori %reduce_min3A_90, %reduce_min3A_88 : vector<16xi32>
      %reduce_min3A_92 = vector.extract %reduce_min3A_91[15] : i32 from vector<16xi32>
      %eq3A_93 = vector.broadcast %reduce_min3A_79 : f32 to vector<16xf32>
      %eq3A_94 = arith.cmpf oeq, %select_n3A_69, %eq3A_93 : vector<16xf32>
      %eq3A_95 = vector.broadcast %reduce_min3A_92 : i32 to vector<16xi32>
      %eq3A_96 = arith.cmpi eq, %select_n3A_70, %eq3A_95 : vector<16xi32>
      %and3A_97 = arith.andi %eq3A_94, %eq3A_96 : vector<16xi1>
      %eq3A_98 = arith.constant 2 : i32
      %eq3A_99 = vector.broadcast %eq3A_98 : i32 to vector<16xi32>
      %eq3A_100 = arith.cmpi eq, %iota3A, %eq3A_99 : vector<16xi32>
      %broadcast_in_dim3A_101 = vector.broadcast %reduce_min3A_92 : i32 to vector<16xi32>
      %select_n3A_102 = arith.select %eq3A_100, %broadcast_in_dim3A_101, %select_n3A_68 : vector<16xi1>, vector<16xi32>
      %select_n3A_103 = arith.select %and3A_97, %select_n3A_71, %select_n3A_69 : vector<16xi1>, vector<16xf32>
      %select_n3A_104 = arith.select %and3A_97, %select_n3A_72, %select_n3A_70 : vector<16xi1>, vector<16xi32>
      %select_n3A_105 = arith.select %and3A_97, %select_n3A_75, %select_n3A_71 : vector<16xi1>, vector<16xf32>
      %select_n3A_106 = arith.select %and3A_97, %scan3A_8#5, %select_n3A_72 : vector<16xi1>, vector<16xi32>
      %broadcast_in_dim3A_107 = arith.constant 0x7F800000 : f32
      %broadcast_in_dim3A_108 = vector.broadcast %broadcast_in_dim3A_107 : f32 to vector<16xf32>
      %select_n3A_109 = arith.select %and3A_97, %broadcast_in_dim3A_108, %select_n3A_75 : vector<16xi1>, vector<16xf32>
      %dma_start3A = arith.constant 0 : i32
      %dma_start3A_110 = arith.constant 0 : i32
      %dma_start3A_111 = tpu.memref_slice %arg3[%arg1, %dma_start3A, %dma_start3A_110] : memref<16x4096x32xf32, #tpu.memory_space<hbm>> -> memref<1x4096x32xf32, #tpu.memory_space<hbm>>
      %dma_start3A_112 = tpu.memref_squeeze %dma_start3A_111 : memref<1x4096x32xf32, #tpu.memory_space<hbm>> -> memref<4096x32xf32, #tpu.memory_space<hbm>>
      %dma_start3A_113 = arith.constant 0 : i32
      %dma_start3A_114 = arith.constant 0 : i32
      %dma_start3A_115 = tpu.memref_slice %dma_start3A_112[%dma_start3A_113, %dma_start3A_114] : memref<4096x32xf32, #tpu.memory_space<hbm>> -> memref<4096x32xf32, #tpu.memory_space<hbm>>
      tpu.enqueue_indirect_dma source(%dma_start3A_115 : memref<4096x32xf32, #tpu.memory_space<hbm>>) target(%arg8 : memref<16x32xf32, #tpu.memory_space<vmem>>) offsets(%select_n3A_102 : vector<16xi32>) semaphore(%arg11 : memref<!tpu.dma_semaphore, #tpu.memory_space<semaphore_mem>>)
      %dma_start3A_116 = arith.constant 0 : i32
      %dma_start3A_117 = arith.constant 0 : i32
      %dma_start3A_118 = tpu.memref_slice %arg4[%arg1, %dma_start3A_116, %dma_start3A_117] : memref<16x4096x32xf32, #tpu.memory_space<hbm>> -> memref<1x4096x32xf32, #tpu.memory_space<hbm>>
      %dma_start3A_119 = tpu.memref_squeeze %dma_start3A_118 : memref<1x4096x32xf32, #tpu.memory_space<hbm>> -> memref<4096x32xf32, #tpu.memory_space<hbm>>
      %dma_start3A_120 = arith.constant 0 : i32
      %dma_start3A_121 = arith.constant 0 : i32
      %dma_start3A_122 = tpu.memref_slice %dma_start3A_119[%dma_start3A_120, %dma_start3A_121] : memref<4096x32xf32, #tpu.memory_space<hbm>> -> memref<4096x32xf32, #tpu.memory_space<hbm>>
      tpu.enqueue_indirect_dma source(%dma_start3A_122 : memref<4096x32xf32, #tpu.memory_space<hbm>>) target(%arg9 : memref<16x32xf32, #tpu.memory_space<vmem>>) offsets(%select_n3A_102 : vector<16xi32>) semaphore(%arg12 : memref<!tpu.dma_semaphore, #tpu.memory_space<semaphore_mem>>)
      %dma_wait3A = arith.constant 0 : i32
      %dma_wait3A_123 = arith.constant 0 : i32
      %dma_wait3A_124 = tpu.memref_slice %arg3[%arg1, %dma_wait3A, %dma_wait3A_123] : memref<16x4096x32xf32, #tpu.memory_space<hbm>> -> memref<1x4096x32xf32, #tpu.memory_space<hbm>>
      %dma_wait3A_125 = tpu.memref_squeeze %dma_wait3A_124 : memref<1x4096x32xf32, #tpu.memory_space<hbm>> -> memref<4096x32xf32, #tpu.memory_space<hbm>>
      %dma_wait3A_126 = arith.constant 0 : i32
      %dma_wait3A_127 = arith.constant 0 : i32
      %dma_wait3A_128 = tpu.memref_slice %dma_wait3A_125[%dma_wait3A_126, %dma_wait3A_127] : memref<4096x32xf32, #tpu.memory_space<hbm>> -> memref<4096x32xf32, #tpu.memory_space<hbm>>
      tpu.wait_indirect_dma semaphore(%arg11 : memref<!tpu.dma_semaphore, #tpu.memory_space<semaphore_mem>>) src(%dma_wait3A_128 : memref<4096x32xf32, #tpu.memory_space<hbm>>) dst(%arg8 : memref<16x32xf32, #tpu.memory_space<vmem>>)
      %dma_wait3A_129 = arith.constant 0 : i32
      %dma_wait3A_130 = arith.constant 0 : i32
      %dma_wait3A_131 = tpu.memref_slice %arg4[%arg1, %dma_wait3A_129, %dma_wait3A_130] : memref<16x4096x32xf32, #tpu.memory_space<hbm>> -> memref<1x4096x32xf32, #tpu.memory_space<hbm>>
      %dma_wait3A_132 = tpu.memref_squeeze %dma_wait3A_131 : memref<1x4096x32xf32, #tpu.memory_space<hbm>> -> memref<4096x32xf32, #tpu.memory_space<hbm>>
      %dma_wait3A_133 = arith.constant 0 : i32
      %dma_wait3A_134 = arith.constant 0 : i32
      %dma_wait3A_135 = tpu.memref_slice %dma_wait3A_132[%dma_wait3A_133, %dma_wait3A_134] : memref<4096x32xf32, #tpu.memory_space<hbm>> -> memref<4096x32xf32, #tpu.memory_space<hbm>>
      tpu.wait_indirect_dma semaphore(%arg12 : memref<!tpu.dma_semaphore, #tpu.memory_space<semaphore_mem>>) src(%dma_wait3A_135 : memref<4096x32xf32, #tpu.memory_space<hbm>>) dst(%arg9 : memref<16x32xf32, #tpu.memory_space<vmem>>)
      %broadcast_in_dim3A_136 = arith.constant 0.000000e+00 : f32
      %broadcast_in_dim3A_137 = vector.broadcast %broadcast_in_dim3A_136 : f32 to vector<16xf32>
      %get3A = arith.constant 0 : i32
      %get3A_138 = arith.index_cast %get3A : i32 to index
      %get3A_139 = arith.constant 0 : index
      %get3A_140 = tpu.vector_load %arg9[%get3A_138, %get3A_139] {strides = array<i32>} : memref<16x32xf32, #tpu.memory_space<vmem>>, vector<16xf32>,
      %bitcast3A = vector.bitcast %get3A_140 : vector<16xf32> to vector<16xi32>
      %shift_right_logical3A = arith.constant 16 : i32
      %shift_right_logical3A_141 = vector.broadcast %shift_right_logical3A : i32 to vector<16xi32>
      %shift_right_logical3A_142 = arith.shrui %bitcast3A, %shift_right_logical3A_141 : vector<16xi32>
      %and3A_143 = arith.constant 1 : i32
      %and3A_144 = vector.broadcast %and3A_143 : i32 to vector<16xi32>
      %and3A_145 = arith.andi %shift_right_logical3A_142, %and3A_144 : vector<16xi32>
      %add3A = arith.constant 32767 : i32
      %add3A_146 = vector.broadcast %add3A : i32 to vector<16xi32>
      %add3A_147 = arith.addi %bitcast3A, %add3A_146 : vector<16xi32>
      %add3A_148 = arith.addi %add3A_147, %and3A_145 : vector<16xi32>
      %and3A_149 = arith.constant -65536 : i32
      %and3A_150 = vector.broadcast %and3A_149 : i32 to vector<16xi32>
      %and3A_151 = arith.andi %add3A_148, %and3A_150 : vector<16xi32>
      %bitcast3A_152 = vector.bitcast %and3A_151 : vector<16xi32> to vector<16xf32>
      %add3A_153 = arith.addf %broadcast_in_dim3A_137, %bitcast3A_152 : vector<16xf32>
      %get3A_154 = arith.constant 1 : i32
      %get3A_155 = arith.index_cast %get3A_154 : i32 to index
      %get3A_156 = arith.constant 0 : index
      %get3A_157 = tpu.vector_load %arg9[%get3A_155, %get3A_156] {strides = array<i32>} : memref<16x32xf32, #tpu.memory_space<vmem>>, vector<16xf32>,
      %bitcast3A_158 = vector.bitcast %get3A_157 : vector<16xf32> to vector<16xi32>
      %shift_right_logical3A_159 = arith.constant 16 : i32
      %shift_right_logical3A_160 = vector.broadcast %shift_right_logical3A_159 : i32 to vector<16xi32>
      %shift_right_logical3A_161 = arith.shrui %bitcast3A_158, %shift_right_logical3A_160 : vector<16xi32>
      %and3A_162 = arith.constant 1 : i32
      %and3A_163 = vector.broadcast %and3A_162 : i32 to vector<16xi32>
      %and3A_164 = arith.andi %shift_right_logical3A_161, %and3A_163 : vector<16xi32>
      %add3A_165 = arith.constant 32767 : i32
      %add3A_166 = vector.broadcast %add3A_165 : i32 to vector<16xi32>
      %add3A_167 = arith.addi %bitcast3A_158, %add3A_166 : vector<16xi32>
      %add3A_168 = arith.addi %add3A_167, %and3A_164 : vector<16xi32>
      %and3A_169 = arith.constant -65536 : i32
      %and3A_170 = vector.broadcast %and3A_169 : i32 to vector<16xi32>
      %and3A_171 = arith.andi %add3A_168, %and3A_170 : vector<16xi32>
      %bitcast3A_172 = vector.bitcast %and3A_171 : vector<16xi32> to vector<16xf32>
      %add3A_173 = arith.addf %add3A_153, %bitcast3A_172 : vector<16xf32>
      %get3A_174 = arith.constant 2 : i32
      %get3A_175 = arith.index_cast %get3A_174 : i32 to index
      %get3A_176 = arith.constant 0 : index
      %get3A_177 = tpu.vector_load %arg9[%get3A_175, %get3A_176] {strides = array<i32>} : memref<16x32xf32, #tpu.memory_space<vmem>>, vector<16xf32>,
      %bitcast3A_178 = vector.bitcast %get3A_177 : vector<16xf32> to vector<16xi32>
      %shift_right_logical3A_179 = arith.constant 16 : i32
      %shift_right_logical3A_180 = vector.broadcast %shift_right_logical3A_179 : i32 to vector<16xi32>
      %shift_right_logical3A_181 = arith.shrui %bitcast3A_178, %shift_right_logical3A_180 : vector<16xi32>
      %and3A_182 = arith.constant 1 : i32
      %and3A_183 = vector.broadcast %and3A_182 : i32 to vector<16xi32>
      %and3A_184 = arith.andi %shift_right_logical3A_181, %and3A_183 : vector<16xi32>
      %add3A_185 = arith.constant 32767 : i32
      %add3A_186 = vector.broadcast %add3A_185 : i32 to vector<16xi32>
      %add3A_187 = arith.addi %bitcast3A_178, %add3A_186 : vector<16xi32>
      %add3A_188 = arith.addi %add3A_187, %and3A_184 : vector<16xi32>
      %and3A_189 = arith.constant -65536 : i32
      %and3A_190 = vector.broadcast %and3A_189 : i32 to vector<16xi32>
      %and3A_191 = arith.andi %add3A_188, %and3A_190 : vector<16xi32>
      %bitcast3A_192 = vector.bitcast %and3A_191 : vector<16xi32> to vector<16xf32>
      %add3A_193 = arith.addf %add3A_173, %bitcast3A_192 : vector<16xf32>
      %div3A = arith.constant 3.000000e+00 : f32
      %div3A_194 = vector.broadcast %div3A : f32 to vector<16xf32>
      %div3A_195 = arith.divf %add3A_193, %div3A_194 : vector<16xf32>
      %swap3A = arith.constant 0 : index
      %swap3A_196 = tpu.vector_load %arg10[%swap3A] {strides = array<i32>} : memref<32xf32, #tpu.memory_space<vmem>>, vector<16xf32>,
      tpu.vector_store %arg10[%swap3A], %div3A_195 {strides = array<i32>} : memref<32xf32, #tpu.memory_space<vmem>>, vector<16xf32>,
      %broadcast_in_dim3A_197 = arith.constant 0.000000e+00 : f32
      %broadcast_in_dim3A_198 = vector.broadcast %broadcast_in_dim3A_197 : f32 to vector<16xf32>
      %get3A_199 = arith.constant 0 : i32
      %get3A_200 = arith.index_cast %get3A_199 : i32 to index
      %get3A_201 = arith.constant 16 : index
      %get3A_202 = tpu.vector_load %arg9[%get3A_200, %get3A_201] {strides = array<i32>} : memref<16x32xf32, #tpu.memory_space<vmem>>, vector<16xf32>,
      %bitcast3A_203 = vector.bitcast %get3A_202 : vector<16xf32> to vector<16xi32>
      %shift_right_logical3A_204 = arith.constant 16 : i32
      %shift_right_logical3A_205 = vector.broadcast %shift_right_logical3A_204 : i32 to vector<16xi32>
      %shift_right_logical3A_206 = arith.shrui %bitcast3A_203, %shift_right_logical3A_205 : vector<16xi32>
      %and3A_207 = arith.constant 1 : i32
      %and3A_208 = vector.broadcast %and3A_207 : i32 to vector<16xi32>
      %and3A_209 = arith.andi %shift_right_logical3A_206, %and3A_208 : vector<16xi32>
      %add3A_210 = arith.constant 32767 : i32
      %add3A_211 = vector.broadcast %add3A_210 : i32 to vector<16xi32>
      %add3A_212 = arith.addi %bitcast3A_203, %add3A_211 : vector<16xi32>
      %add3A_213 = arith.addi %add3A_212, %and3A_209 : vector<16xi32>
      %and3A_214 = arith.constant -65536 : i32
      %and3A_215 = vector.broadcast %and3A_214 : i32 to vector<16xi32>
      %and3A_216 = arith.andi %add3A_213, %and3A_215 : vector<16xi32>
      %bitcast3A_217 = vector.bitcast %and3A_216 : vector<16xi32> to vector<16xf32>
      %add3A_218 = arith.addf %broadcast_in_dim3A_198, %bitcast3A_217 : vector<16xf32>
      %get3A_219 = arith.constant 1 : i32
      %get3A_220 = arith.index_cast %get3A_219 : i32 to index
      %get3A_221 = arith.constant 16 : index
      %get3A_222 = tpu.vector_load %arg9[%get3A_220, %get3A_221] {strides = array<i32>} : memref<16x32xf32, #tpu.memory_space<vmem>>, vector<16xf32>,
      %bitcast3A_223 = vector.bitcast %get3A_222 : vector<16xf32> to vector<16xi32>
      %shift_right_logical3A_224 = arith.constant 16 : i32
      %shift_right_logical3A_225 = vector.broadcast %shift_right_logical3A_224 : i32 to vector<16xi32>
      %shift_right_logical3A_226 = arith.shrui %bitcast3A_223, %shift_right_logical3A_225 : vector<16xi32>
      %and3A_227 = arith.constant 1 : i32
      %and3A_228 = vector.broadcast %and3A_227 : i32 to vector<16xi32>
      %and3A_229 = arith.andi %shift_right_logical3A_226, %and3A_228 : vector<16xi32>
      %add3A_230 = arith.constant 32767 : i32
      %add3A_231 = vector.broadcast %add3A_230 : i32 to vector<16xi32>
      %add3A_232 = arith.addi %bitcast3A_223, %add3A_231 : vector<16xi32>
      %add3A_233 = arith.addi %add3A_232, %and3A_229 : vector<16xi32>
      %and3A_234 = arith.constant -65536 : i32
      %and3A_235 = vector.broadcast %and3A_234 : i32 to vector<16xi32>
      %and3A_236 = arith.andi %add3A_233, %and3A_235 : vector<16xi32>
      %bitcast3A_237 = vector.bitcast %and3A_236 : vector<16xi32> to vector<16xf32>
      %add3A_238 = arith.addf %add3A_218, %bitcast3A_237 : vector<16xf32>
      %get3A_239 = arith.constant 2 : i32
      %get3A_240 = arith.index_cast %get3A_239 : i32 to index
      %get3A_241 = arith.constant 16 : index
      %get3A_242 = tpu.vector_load %arg9[%get3A_240, %get3A_241] {strides = array<i32>} : memref<16x32xf32, #tpu.memory_space<vmem>>, vector<16xf32>,
      %bitcast3A_243 = vector.bitcast %get3A_242 : vector<16xf32> to vector<16xi32>
      %shift_right_logical3A_244 = arith.constant 16 : i32
      %shift_right_logical3A_245 = vector.broadcast %shift_right_logical3A_244 : i32 to vector<16xi32>
      %shift_right_logical3A_246 = arith.shrui %bitcast3A_243, %shift_right_logical3A_245 : vector<16xi32>
      %and3A_247 = arith.constant 1 : i32
      %and3A_248 = vector.broadcast %and3A_247 : i32 to vector<16xi32>
      %and3A_249 = arith.andi %shift_right_logical3A_246, %and3A_248 : vector<16xi32>
      %add3A_250 = arith.constant 32767 : i32
      %add3A_251 = vector.broadcast %add3A_250 : i32 to vector<16xi32>
      %add3A_252 = arith.addi %bitcast3A_243, %add3A_251 : vector<16xi32>
      %add3A_253 = arith.addi %add3A_252, %and3A_249 : vector<16xi32>
      %and3A_254 = arith.constant -65536 : i32
      %and3A_255 = vector.broadcast %and3A_254 : i32 to vector<16xi32>
      %and3A_256 = arith.andi %add3A_253, %and3A_255 : vector<16xi32>
      %bitcast3A_257 = vector.bitcast %and3A_256 : vector<16xi32> to vector<16xf32>
      %add3A_258 = arith.addf %add3A_238, %bitcast3A_257 : vector<16xf32>
      %div3A_259 = arith.constant 3.000000e+00 : f32
      %div3A_260 = vector.broadcast %div3A_259 : f32 to vector<16xf32>
      %div3A_261 = arith.divf %add3A_258, %div3A_260 : vector<16xf32>
      %swap3A_262 = arith.constant 16 : index
      %swap3A_263 = tpu.vector_load %arg10[%swap3A_262] {strides = array<i32>} : memref<32xf32, #tpu.memory_space<vmem>>, vector<16xf32>,
      tpu.vector_store %arg10[%swap3A_262], %div3A_261 {strides = array<i32>} : memref<32xf32, #tpu.memory_space<vmem>>, vector<16xf32>,
      "tpu.region"() ({
        %run_scoped3A = tpu.sem_alloc : memref<!tpu.dma_semaphore, #tpu.memory_space<semaphore_mem>>
        %dma_start3A_264 = arith.constant 0 : i32
        %dma_start3A_265 = arith.constant 0 : i32
        %dma_start3A_266 = tpu.memref_slice %arg8[%dma_start3A_264, %dma_start3A_265] : memref<16x32xf32, #tpu.memory_space<vmem>> -> memref<3x32xf32, #tpu.memory_space<vmem>>
        %dma_start3A_267 = arith.constant 0 : i32
        %dma_start3A_268 = arith.constant 0 : i32
        %dma_start3A_269 = tpu.memref_slice %arg5[%arg1, %dma_start3A_267, %dma_start3A_268] : memref<16x3x32xf32, #tpu.memory_space<hbm>> -> memref<1x3x32xf32, #tpu.memory_space<hbm>>
        %dma_start3A_270 = tpu.memref_squeeze %dma_start3A_269 : memref<1x3x32xf32, #tpu.memory_space<hbm>> -> memref<3x32xf32, #tpu.memory_space<hbm>>
        %dma_start3A_271 = arith.constant 0 : i32
        %dma_start3A_272 = arith.constant 0 : i32
        %dma_start3A_273 = tpu.memref_slice %arg5[%arg1, %dma_start3A_271, %dma_start3A_272] : memref<16x3x32xf32, #tpu.memory_space<hbm>> -> memref<1x3x32xf32, #tpu.memory_space<hbm>>
        %dma_start3A_274 = tpu.memref_squeeze %dma_start3A_273 : memref<1x3x32xf32, #tpu.memory_space<hbm>> -> memref<3x32xf32, #tpu.memory_space<hbm>>
        %dma_start3A_275 = arith.constant 0 : i32
        %dma_start3A_276 = arith.constant 0 : i32
        %dma_start3A_277 = tpu.memref_slice %arg8[%dma_start3A_275, %dma_start3A_276] : memref<16x32xf32, #tpu.memory_space<vmem>> -> memref<3x32xf32, #tpu.memory_space<vmem>>
        tpu.enqueue_dma source(%dma_start3A_277 : memref<3x32xf32, #tpu.memory_space<vmem>>) target(%dma_start3A_274 : memref<3x32xf32, #tpu.memory_space<hbm>>) target_semaphore(%run_scoped3A : memref<!tpu.dma_semaphore, #tpu.memory_space<semaphore_mem>>)
        %dma_wait3A_278 = arith.constant 0 : i32
        %dma_wait3A_279 = arith.constant 0 : i32
        %dma_wait3A_280 = tpu.memref_slice %arg8[%dma_wait3A_278, %dma_wait3A_279] : memref<16x32xf32, #tpu.memory_space<vmem>> -> memref<3x32xf32, #tpu.memory_space<vmem>>
        %dma_wait3A_281 = arith.constant 0 : i32
        %dma_wait3A_282 = arith.constant 0 : i32
        %dma_wait3A_283 = tpu.memref_slice %arg5[%arg1, %dma_wait3A_281, %dma_wait3A_282] : memref<16x3x32xf32, #tpu.memory_space<hbm>> -> memref<1x3x32xf32, #tpu.memory_space<hbm>>
        %dma_wait3A_284 = tpu.memref_squeeze %dma_wait3A_283 : memref<1x3x32xf32, #tpu.memory_space<hbm>> -> memref<3x32xf32, #tpu.memory_space<hbm>>
        %dma_wait3A_285 = arith.constant 0 : i32
        %dma_wait3A_286 = arith.constant 0 : i32
        %dma_wait3A_287 = tpu.memref_slice %arg5[%arg1, %dma_wait3A_285, %dma_wait3A_286] : memref<16x3x32xf32, #tpu.memory_space<hbm>> -> memref<1x3x32xf32, #tpu.memory_space<hbm>>
        %dma_wait3A_288 = tpu.memref_squeeze %dma_wait3A_287 : memref<1x3x32xf32, #tpu.memory_space<hbm>> -> memref<3x32xf32, #tpu.memory_space<hbm>>
        %dma_wait3A_289 = arith.constant 0 : i32
        %dma_wait3A_290 = arith.constant 0 : i32
        %dma_wait3A_291 = tpu.memref_slice %arg8[%dma_wait3A_289, %dma_wait3A_290] : memref<16x32xf32, #tpu.memory_space<vmem>> -> memref<3x32xf32, #tpu.memory_space<vmem>>
        tpu.wait_dma2 semaphore(%run_scoped3A : memref<!tpu.dma_semaphore, #tpu.memory_space<semaphore_mem>>) src(%dma_wait3A_291 : memref<3x32xf32, #tpu.memory_space<vmem>>) dst(%dma_wait3A_288 : memref<3x32xf32, #tpu.memory_space<hbm>>)
        tpu.yield
      }) : () -> ()
      "tpu.region"() ({
        %run_scoped3A = tpu.sem_alloc : memref<!tpu.dma_semaphore, #tpu.memory_space<semaphore_mem>>
        %dma_start3A_264 = arith.constant 0 : i32
        %dma_start3A_265 = tpu.memref_slice %arg6[%arg1, %dma_start3A_264] : memref<16x32xf32, #tpu.memory_space<hbm>> -> memref<1x32xf32, #tpu.memory_space<hbm>>
        %dma_start3A_266 = tpu.memref_squeeze %dma_start3A_265 : memref<1x32xf32, #tpu.memory_space<hbm>> -> memref<32xf32, #tpu.memory_space<hbm>>
        %dma_start3A_267 = arith.constant 0 : i32
        %dma_start3A_268 = tpu.memref_slice %arg6[%arg1, %dma_start3A_267] : memref<16x32xf32, #tpu.memory_space<hbm>> -> memref<1x32xf32, #tpu.memory_space<hbm>>
        %dma_start3A_269 = tpu.memref_squeeze %dma_start3A_268 : memref<1x32xf32, #tpu.memory_space<hbm>> -> memref<32xf32, #tpu.memory_space<hbm>>
        tpu.enqueue_dma source(%arg10 : memref<32xf32, #tpu.memory_space<vmem>>) target(%dma_start3A_269 : memref<32xf32, #tpu.memory_space<hbm>>) target_semaphore(%run_scoped3A : memref<!tpu.dma_semaphore, #tpu.memory_space<semaphore_mem>>)
        %dma_wait3A_270 = arith.constant 0 : i32
        %dma_wait3A_271 = tpu.memref_slice %arg6[%arg1, %dma_wait3A_270] : memref<16x32xf32, #tpu.memory_space<hbm>> -> memref<1x32xf32, #tpu.memory_space<hbm>>
        %dma_wait3A_272 = tpu.memref_squeeze %dma_wait3A_271 : memref<1x32xf32, #tpu.memory_space<hbm>> -> memref<32xf32, #tpu.memory_space<hbm>>
        %dma_wait3A_273 = arith.constant 0 : i32
        %dma_wait3A_274 = tpu.memref_slice %arg6[%arg1, %dma_wait3A_273] : memref<16x32xf32, #tpu.memory_space<hbm>> -> memref<1x32xf32, #tpu.memory_space<hbm>>
        %dma_wait3A_275 = tpu.memref_squeeze %dma_wait3A_274 : memref<1x32xf32, #tpu.memory_space<hbm>> -> memref<32xf32, #tpu.memory_space<hbm>>
        tpu.wait_dma2 semaphore(%run_scoped3A : memref<!tpu.dma_semaphore, #tpu.memory_space<semaphore_mem>>) src(%arg10 : memref<32xf32, #tpu.memory_space<vmem>>) dst(%dma_wait3A_275 : memref<32xf32, #tpu.memory_space<hbm>>)
        tpu.yield
      }) : () -> ()
    } else {
    }
    return
  }
}

module attributes {stable_mosaic.version = 14 : i64} {
  func.func @_tc_stage1_body(%arg0: i32, %arg1: memref<1x1024x128xf32, #tpu.memory_space<vmem>>, %arg2: memref<1x1024x4xf32, #tpu.memory_space<vmem>>) attributes {dimension_semantics = [#tpu.dimension_semantics<arbitrary>], iteration_bounds = array<i64: 16>, scalar_prefetch = 0 : i64, scratch_operands = 0 : i64, tpu.core_type = #tpu.core_type<tc>, window_params = [{transform_indices = @transform_0, window_bounds = array<i64: 1, 1024, 128>}, {transform_indices = @transform_1, window_bounds = array<i64: 1, 1024, 4>}]} {
    %get3A = arith.constant 0 : index
    %get3A_0 = arith.constant 0 : index
    %get3A_1 = arith.constant 0 : index
    %get3A_2 = vector.load %arg1[%get3A, %get3A_0, %get3A_1] : memref<1x1024x128xf32, #tpu.memory_space<vmem>>, vector<1x1024x128xf32>
    %convert_element_type3A = arith.truncf %get3A_2 : vector<1x1024x128xf32> to vector<1x1024x128xbf16>
    %convert_element_type3A_3 = arith.extf %convert_element_type3A : vector<1x1024x128xbf16> to vector<1x1024x128xf32>
    %reduce_sum3A = arith.constant dense<0.000000e+00> : vector<1x128xf32>
    %reduce_sum3A_4 = vector.multi_reduction <add>, %convert_element_type3A_3, %reduce_sum3A [1] : vector<1x1024x128xf32> to vector<1x128xf32>
    %iota3A = tpu.iota {dimensions = array<i32: 0>} : vector<128x32xi32>
    %jit3A = arith.constant 32 : i32
    %eq3A = arith.constant 0 : i32
    %eq3A_5 = arith.cmpi eq, %jit3A, %eq3A : i32
    %jit3A_6 = arith.constant 1 : i32
    %select_n3A = arith.select %eq3A_5, %jit3A_6, %jit3A : i32
    %rem3A = vector.broadcast %select_n3A : i32 to vector<128x32xi32>
    %rem3A_7 = arith.remsi %iota3A, %rem3A : vector<128x32xi32>
    %ne3A = arith.constant 0 : i32
    %ne3A_8 = vector.broadcast %ne3A : i32 to vector<128x32xi32>
    %ne3A_9 = arith.cmpi ne, %rem3A_7, %ne3A_8 : vector<128x32xi32>
    %lt3A = arith.constant 0 : i32
    %lt3A_10 = vector.broadcast %lt3A : i32 to vector<128x32xi32>
    %lt3A_11 = arith.cmpi slt, %rem3A_7, %lt3A_10 : vector<128x32xi32>
    %lt3A_12 = arith.constant 0 : i32
    %lt3A_13 = arith.cmpi slt, %select_n3A, %lt3A_12 : i32
    %ne3A_14 = vector.broadcast %lt3A_13 : i1 to vector<128x32xi1>
    %ne3A_15 = vector.broadcast %ne3A_14 : vector<128x32xi1> to vector<128x32xi1>
    %ne3A_16 = arith.xori %lt3A_11, %ne3A_15 : vector<128x32xi1>
    %and3A = arith.andi %ne3A_16, %ne3A_9 : vector<128x32xi1>
    %add3A = vector.broadcast %select_n3A : i32 to vector<128x32xi32>
    %add3A_17 = arith.addi %rem3A_7, %add3A : vector<128x32xi32>
    %select_n3A_18 = arith.select %and3A, %add3A_17, %rem3A_7 : vector<128x32xi1>, vector<128x32xi32>
    %iota3A_19 = tpu.iota {dimensions = array<i32: 1>} : vector<128x32xi32>
    %eq3A_20 = arith.cmpi eq, %select_n3A_18, %iota3A_19 : vector<128x32xi32>
    %convert_element_type3A_21 = arith.extui %eq3A_20 : vector<128x32xi1> to vector<128x32xi32>
    %convert_element_type3A_22 = arith.sitofp %convert_element_type3A_21 : vector<128x32xi32> to vector<128x32xf32>
    %dot_general3A = arith.constant dense<0.000000e+00> : vector<1x32xf32>
    %dot_general3A_23 = tpu.matmul %reduce_sum3A_4, %convert_element_type3A_22, %dot_general3A {dimension_numbers = #tpu.dot_dimension_numbers<[1], [0], [0], [1], [0, 0, 1, 1], [], []>, transpose_lhs_hint = false} : vector<1x128xf32>, vector<128x32xf32>, vector<1x32xf32> -> vector<1x32xf32>
    %div3A = arith.constant 4.096000e+03 : f32
    %div3A_24 = vector.broadcast %div3A : f32 to vector<1x32xf32>
    %div3A_25 = arith.divf %dot_general3A_23, %div3A_24 : vector<1x32xf32>
    %concatenate3A = tpu.concatenate %div3A_25, %div3A_25, %div3A_25, %div3A_25 in 1 : vector<1x32xf32>, vector<1x32xf32>, vector<1x32xf32>, vector<1x32xf32> -> vector<1x128xf32>
    %broadcast_in_dim3A = vector.shape_cast %concatenate3A : vector<1x128xf32> to vector<1x1x128xf32>
    %mul3A = vector.broadcast %broadcast_in_dim3A : vector<1x1x128xf32> to vector<1x1024x128xf32>
    %mul3A_26 = arith.mulf %convert_element_type3A_3, %mul3A : vector<1x1024x128xf32>
    %squeeze3A = vector.shape_cast %mul3A_26 : vector<1x1024x128xf32> to vector<1024x128xf32>
    %iota3A_27 = tpu.iota {dimensions = array<i32: 0>} : vector<128x4xi32>
    %jit3A_28 = arith.constant 32 : i32
    %div3A_29 = vector.broadcast %jit3A_28 : i32 to vector<128x4xi32>
    %div3A_30 = arith.divsi %iota3A_27, %div3A_29 : vector<128x4xi32>
    %sign3A = arith.constant 0 : i32
    %sign3A_31 = vector.broadcast %sign3A : i32 to vector<128x4xi32>
    %sign3A_32 = arith.cmpi sgt, %iota3A_27, %sign3A_31 : vector<128x4xi32>
    %sign3A_33 = arith.extui %sign3A_32 : vector<128x4xi1> to vector<128x4xi32>
    %sign3A_34 = arith.constant 0 : i32
    %sign3A_35 = vector.broadcast %sign3A_34 : i32 to vector<128x4xi32>
    %sign3A_36 = arith.cmpi slt, %iota3A_27, %sign3A_35 : vector<128x4xi32>
    %sign3A_37 = arith.extui %sign3A_36 : vector<128x4xi1> to vector<128x4xi32>
    %sign3A_38 = arith.subi %sign3A_33, %sign3A_37 : vector<128x4xi32>
    %sign3A_39 = arith.constant 0 : i32
    %sign3A_40 = arith.cmpi sgt, %jit3A_28, %sign3A_39 : i32
    %sign3A_41 = arith.extui %sign3A_40 : i1 to i32
    %sign3A_42 = arith.constant 0 : i32
    %sign3A_43 = arith.cmpi slt, %jit3A_28, %sign3A_42 : i32
    %sign3A_44 = arith.extui %sign3A_43 : i1 to i32
    %sign3A_45 = arith.subi %sign3A_41, %sign3A_44 : i32
    %ne3A_46 = vector.broadcast %sign3A_45 : i32 to vector<128x4xi32>
    %ne3A_47 = arith.cmpi ne, %sign3A_38, %ne3A_46 : vector<128x4xi32>
    %rem3A_48 = vector.broadcast %jit3A_28 : i32 to vector<128x4xi32>
    %rem3A_49 = arith.remsi %iota3A_27, %rem3A_48 : vector<128x4xi32>
    %ne3A_50 = arith.constant 0 : i32
    %ne3A_51 = vector.broadcast %ne3A_50 : i32 to vector<128x4xi32>
    %ne3A_52 = arith.cmpi ne, %rem3A_49, %ne3A_51 : vector<128x4xi32>
    %and3A_53 = arith.andi %ne3A_47, %ne3A_52 : vector<128x4xi1>
    %sub3A = arith.constant 1 : i32
    %sub3A_54 = vector.broadcast %sub3A : i32 to vector<128x4xi32>
    %sub3A_55 = arith.subi %div3A_30, %sub3A_54 : vector<128x4xi32>
    %select_n3A_56 = arith.select %and3A_53, %sub3A_55, %div3A_30 : vector<128x4xi1>, vector<128x4xi32>
    %iota3A_57 = tpu.iota {dimensions = array<i32: 1>} : vector<128x4xi32>
    %eq3A_58 = arith.cmpi eq, %select_n3A_56, %iota3A_57 : vector<128x4xi32>
    %convert_element_type3A_59 = arith.extui %eq3A_58 : vector<128x4xi1> to vector<128x4xi32>
    %convert_element_type3A_60 = arith.sitofp %convert_element_type3A_59 : vector<128x4xi32> to vector<128x4xf32>
    %dot_general3A_61 = arith.constant dense<0.000000e+00> : vector<1024x4xf32>
    %dot_general3A_62 = tpu.matmul %squeeze3A, %convert_element_type3A_60, %dot_general3A_61 {dimension_numbers = #tpu.dot_dimension_numbers<[1], [0], [0], [1], [0, 0, 1, 1], [], []>, transpose_lhs_hint = false} : vector<1024x128xf32>, vector<128x4xf32>, vector<1024x4xf32> -> vector<1024x4xf32>
    %broadcast_in_dim3A_63 = vector.shape_cast %dot_general3A_62 : vector<1024x4xf32> to vector<1x1024x4xf32>
    %swap3A = arith.constant 0 : index
    %swap3A_64 = arith.constant 0 : index
    %swap3A_65 = arith.constant 0 : index
    %swap3A_66 = vector.load %arg2[%swap3A, %swap3A_64, %swap3A_65] : memref<1x1024x4xf32, #tpu.memory_space<vmem>>, vector<1x1024x4xf32>
    tpu.vector_store %arg2[%swap3A, %swap3A_64, %swap3A_65], %broadcast_in_dim3A_63 {strides = array<i32>} : memref<1x1024x4xf32, #tpu.memory_space<vmem>>, vector<1x1024x4xf32>,
    return
  }
  func.func @transform_0(%arg0: i32) -> (i32, i32, i32) {
    %c0_i32 = arith.constant 0 : i32
    %c0_i32_0 = arith.constant 0 : i32
    %c0_i32_1 = arith.constant 0 : i32
    return %arg0, %c0_i32, %c0_i32_0 : i32, i32, i32
  }
  func.func @transform_1(%arg0: i32) -> (i32, i32, i32) {
    %c0_i32 = arith.constant 0 : i32
    %c0_i32_0 = arith.constant 0 : i32
    %c0_i32_1 = arith.constant 0 : i32
    return %arg0, %c0_i32, %c0_i32_0 : i32, i32, i32
  }
}

module attributes {stable_mosaic.version = 14 : i64} {
  func.func @_tc_stage2_body(%arg0: i32, %arg1: memref<1x1024x128xf32, #tpu.memory_space<vmem>>, %arg2: memref<1x1x32xf32, #tpu.memory_space<vmem>>, %arg3: memref<1x1024x128xf32, #tpu.memory_space<vmem>>, %arg4: memref<1x3x32xf32, #tpu.memory_space<vmem>>, %arg5: memref<1x5x32xf32, #tpu.memory_space<vmem>>) attributes {dimension_semantics = [#tpu.dimension_semantics<arbitrary>], iteration_bounds = array<i64: 16>, scalar_prefetch = 0 : i64, scratch_operands = 0 : i64, tpu.core_type = #tpu.core_type<tc>, window_params = [{transform_indices = @transform_0, window_bounds = array<i64: 1, 1024, 128>}, {transform_indices = @transform_1, window_bounds = array<i64: 1, 1, 32>}, {transform_indices = @transform_2, window_bounds = array<i64: 1, 1024, 128>}, {transform_indices = @transform_3, window_bounds = array<i64: 1, 3, 32>}, {transform_indices = @transform_4, window_bounds = array<i64: 1, 5, 32>}]} {
    %get3A = arith.constant 0 : index
    %get3A_0 = arith.constant 0 : index
    %get3A_1 = arith.constant 0 : index
    %get3A_2 = vector.load %arg1[%get3A, %get3A_0, %get3A_1] : memref<1x1024x128xf32, #tpu.memory_space<vmem>>, vector<1x1024x128xf32>
    %convert_element_type3A = arith.truncf %get3A_2 : vector<1x1024x128xf32> to vector<1x1024x128xbf16>
    %convert_element_type3A_3 = arith.extf %convert_element_type3A : vector<1x1024x128xbf16> to vector<1x1024x128xf32>
    %get3A_4 = arith.constant 0 : index
    %get3A_5 = arith.constant 0 : index
    %get3A_6 = arith.constant 0 : index
    %get3A_7 = vector.load %arg2[%get3A_4, %get3A_5, %get3A_6] : memref<1x1x32xf32, #tpu.memory_space<vmem>>, vector<1x1x32xf32>
    %concatenate3A = tpu.concatenate %get3A_7, %get3A_7, %get3A_7, %get3A_7 in 2 : vector<1x1x32xf32>, vector<1x1x32xf32>, vector<1x1x32xf32>, vector<1x1x32xf32> -> vector<1x1x128xf32>
    %mul3A = vector.broadcast %concatenate3A : vector<1x1x128xf32> to vector<1x1024x128xf32>
    %mul3A_8 = arith.mulf %convert_element_type3A_3, %mul3A : vector<1x1024x128xf32>
    %squeeze3A = vector.shape_cast %mul3A_8 : vector<1x1024x128xf32> to vector<1024x128xf32>
    %iota3A = tpu.iota {dimensions = array<i32: 0>} : vector<128x4xi32>
    %jit3A = arith.constant 32 : i32
    %div3A = vector.broadcast %jit3A : i32 to vector<128x4xi32>
    %div3A_9 = arith.divsi %iota3A, %div3A : vector<128x4xi32>
    %sign3A = arith.constant 0 : i32
    %sign3A_10 = vector.broadcast %sign3A : i32 to vector<128x4xi32>
    %sign3A_11 = arith.cmpi sgt, %iota3A, %sign3A_10 : vector<128x4xi32>
    %sign3A_12 = arith.extui %sign3A_11 : vector<128x4xi1> to vector<128x4xi32>
    %sign3A_13 = arith.constant 0 : i32
    %sign3A_14 = vector.broadcast %sign3A_13 : i32 to vector<128x4xi32>
    %sign3A_15 = arith.cmpi slt, %iota3A, %sign3A_14 : vector<128x4xi32>
    %sign3A_16 = arith.extui %sign3A_15 : vector<128x4xi1> to vector<128x4xi32>
    %sign3A_17 = arith.subi %sign3A_12, %sign3A_16 : vector<128x4xi32>
    %sign3A_18 = arith.constant 0 : i32
    %sign3A_19 = arith.cmpi sgt, %jit3A, %sign3A_18 : i32
    %sign3A_20 = arith.extui %sign3A_19 : i1 to i32
    %sign3A_21 = arith.constant 0 : i32
    %sign3A_22 = arith.cmpi slt, %jit3A, %sign3A_21 : i32
    %sign3A_23 = arith.extui %sign3A_22 : i1 to i32
    %sign3A_24 = arith.subi %sign3A_20, %sign3A_23 : i32
    %ne3A = vector.broadcast %sign3A_24 : i32 to vector<128x4xi32>
    %ne3A_25 = arith.cmpi ne, %sign3A_17, %ne3A : vector<128x4xi32>
    %rem3A = vector.broadcast %jit3A : i32 to vector<128x4xi32>
    %rem3A_26 = arith.remsi %iota3A, %rem3A : vector<128x4xi32>
    %ne3A_27 = arith.constant 0 : i32
    %ne3A_28 = vector.broadcast %ne3A_27 : i32 to vector<128x4xi32>
    %ne3A_29 = arith.cmpi ne, %rem3A_26, %ne3A_28 : vector<128x4xi32>
    %and3A = arith.andi %ne3A_25, %ne3A_29 : vector<128x4xi1>
    %sub3A = arith.constant 1 : i32
    %sub3A_30 = vector.broadcast %sub3A : i32 to vector<128x4xi32>
    %sub3A_31 = arith.subi %div3A_9, %sub3A_30 : vector<128x4xi32>
    %select_n3A = arith.select %and3A, %sub3A_31, %div3A_9 : vector<128x4xi1>, vector<128x4xi32>
    %iota3A_32 = tpu.iota {dimensions = array<i32: 1>} : vector<128x4xi32>
    %eq3A = arith.cmpi eq, %select_n3A, %iota3A_32 : vector<128x4xi32>
    %convert_element_type3A_33 = arith.extui %eq3A : vector<128x4xi1> to vector<128x4xi32>
    %convert_element_type3A_34 = arith.sitofp %convert_element_type3A_33 : vector<128x4xi32> to vector<128x4xf32>
    %dot_general3A = arith.constant dense<0.000000e+00> : vector<1024x4xf32>
    %dot_general3A_35 = tpu.matmul %squeeze3A, %convert_element_type3A_34, %dot_general3A {dimension_numbers = #tpu.dot_dimension_numbers<[1], [0], [0], [1], [0, 0, 1, 1], [], []>, transpose_lhs_hint = false} : vector<1024x128xf32>, vector<128x4xf32>, vector<1024x4xf32> -> vector<1024x4xf32>
    %iota3A_36 = tpu.iota {dimensions = array<i32: 0>} : vector<1024x4xi32>
    %mul3A_37 = arith.constant 4 : i32
    %mul3A_38 = vector.broadcast %mul3A_37 : i32 to vector<1024x4xi32>
    %mul3A_39 = arith.muli %iota3A_36, %mul3A_38 : vector<1024x4xi32>
    %iota3A_40 = tpu.iota {dimensions = array<i32: 1>} : vector<1024x4xi32>
    %add3A = arith.addi %mul3A_39, %iota3A_40 : vector<1024x4xi32>
    %reduce_max3A = vector.shape_cast %dot_general3A_35 : vector<1024x4xf32> to vector<1x1024x4xf32>
    %reduce_max3A_41 = arith.constant dense<0xFF800000> : vector<1xf32>
    %reduce_max3A_42 = vector.multi_reduction <maximumf>, %reduce_max3A, %reduce_max3A_41 [1, 2] : vector<1x1024x4xf32> to vector<1xf32>
    %reduce_max3A_43 = vector.shape_cast %reduce_max3A_42 : vector<1xf32> to vector<1x1x1xf32>
    %reduce_max3A_44 = vector.extract %reduce_max3A_43[0, 0, 0] : f32 from vector<1x1x1xf32>
    %eq3A_45 = vector.broadcast %reduce_max3A_44 : f32 to vector<1024x4xf32>
    %eq3A_46 = arith.cmpf oeq, %dot_general3A_35, %eq3A_45 : vector<1024x4xf32>
    %jit3A_47 = arith.constant 1073741824 : i32
    %broadcast_in_dim3A = vector.broadcast %jit3A_47 : i32 to vector<1024x4xi32>
    %select_n3A_48 = arith.select %eq3A_46, %add3A, %broadcast_in_dim3A : vector<1024x4xi1>, vector<1024x4xi32>
    %reduce_min3A = vector.shape_cast %select_n3A_48 : vector<1024x4xi32> to vector<1x1024x4xi32>
    %reduce_min3A_49 = arith.constant dense<2147483647> : vector<1xi32>
    %reduce_min3A_50 = vector.multi_reduction <minsi>, %reduce_min3A, %reduce_min3A_49 [1, 2] : vector<1x1024x4xi32> to vector<1xi32>
    %reduce_min3A_51 = vector.shape_cast %reduce_min3A_50 : vector<1xi32> to vector<1x1x1xi32>
    %reduce_min3A_52 = vector.extract %reduce_min3A_51[0, 0, 0] : i32 from vector<1x1x1xi32>
    %eq3A_53 = vector.broadcast %reduce_min3A_52 : i32 to vector<1024x4xi32>
    %eq3A_54 = arith.cmpi eq, %add3A, %eq3A_53 : vector<1024x4xi32>
    %jit3A_55 = arith.constant 0xFF800000 : f32
    %broadcast_in_dim3A_56 = vector.broadcast %jit3A_55 : f32 to vector<1024x4xf32>
    %select_n3A_57 = arith.select %eq3A_54, %broadcast_in_dim3A_56, %dot_general3A_35 : vector<1024x4xi1>, vector<1024x4xf32>
    %reduce_max3A_58 = vector.shape_cast %select_n3A_57 : vector<1024x4xf32> to vector<1x1024x4xf32>
    %reduce_max3A_59 = arith.constant dense<0xFF800000> : vector<1xf32>
    %reduce_max3A_60 = vector.multi_reduction <maximumf>, %reduce_max3A_58, %reduce_max3A_59 [1, 2] : vector<1x1024x4xf32> to vector<1xf32>
    %reduce_max3A_61 = vector.shape_cast %reduce_max3A_60 : vector<1xf32> to vector<1x1x1xf32>
    %reduce_max3A_62 = vector.extract %reduce_max3A_61[0, 0, 0] : f32 from vector<1x1x1xf32>
    %eq3A_63 = vector.broadcast %reduce_max3A_62 : f32 to vector<1024x4xf32>
    %eq3A_64 = arith.cmpf oeq, %select_n3A_57, %eq3A_63 : vector<1024x4xf32>
    %jit3A_65 = arith.constant 1073741824 : i32
    %broadcast_in_dim3A_66 = vector.broadcast %jit3A_65 : i32 to vector<1024x4xi32>
    %select_n3A_67 = arith.select %eq3A_64, %add3A, %broadcast_in_dim3A_66 : vector<1024x4xi1>, vector<1024x4xi32>
    %reduce_min3A_68 = vector.shape_cast %select_n3A_67 : vector<1024x4xi32> to vector<1x1024x4xi32>
    %reduce_min3A_69 = arith.constant dense<2147483647> : vector<1xi32>
    %reduce_min3A_70 = vector.multi_reduction <minsi>, %reduce_min3A_68, %reduce_min3A_69 [1, 2] : vector<1x1024x4xi32> to vector<1xi32>
    %reduce_min3A_71 = vector.shape_cast %reduce_min3A_70 : vector<1xi32> to vector<1x1x1xi32>
    %reduce_min3A_72 = vector.extract %reduce_min3A_71[0, 0, 0] : i32 from vector<1x1x1xi32>
    %get3A_73 = arith.constant 0 : index
    %get3A_74 = arith.constant 0 : index
    %get3A_75 = arith.constant 0 : index
    %get3A_76 = vector.load %arg3[%get3A_73, %get3A_74, %get3A_75] : memref<1x1024x128xf32, #tpu.memory_space<vmem>>, vector<1x1024x128xf32>
    %iota3A_77 = tpu.iota {dimensions = array<i32: 1>} : vector<1x1024x128xi32>
    %mul3A_78 = arith.constant 4 : i32
    %mul3A_79 = vector.broadcast %mul3A_78 : i32 to vector<1x1024x128xi32>
    %mul3A_80 = arith.muli %iota3A_77, %mul3A_79 : vector<1x1024x128xi32>
    %iota3A_81 = tpu.iota {dimensions = array<i32: 2>} : vector<1x1024x128xi32>
    %jit3A_82 = arith.constant 32 : i32
    %div3A_83 = vector.broadcast %jit3A_82 : i32 to vector<1x1024x128xi32>
    %div3A_84 = arith.divsi %iota3A_81, %div3A_83 : vector<1x1024x128xi32>
    %sign3A_85 = arith.constant 0 : i32
    %sign3A_86 = vector.broadcast %sign3A_85 : i32 to vector<1x1024x128xi32>
    %sign3A_87 = arith.cmpi sgt, %iota3A_81, %sign3A_86 : vector<1x1024x128xi32>
    %sign3A_88 = arith.extui %sign3A_87 : vector<1x1024x128xi1> to vector<1x1024x128xi32>
    %sign3A_89 = arith.constant 0 : i32
    %sign3A_90 = vector.broadcast %sign3A_89 : i32 to vector<1x1024x128xi32>
    %sign3A_91 = arith.cmpi slt, %iota3A_81, %sign3A_90 : vector<1x1024x128xi32>
    %sign3A_92 = arith.extui %sign3A_91 : vector<1x1024x128xi1> to vector<1x1024x128xi32>
    %sign3A_93 = arith.subi %sign3A_88, %sign3A_92 : vector<1x1024x128xi32>
    %sign3A_94 = arith.constant 0 : i32
    %sign3A_95 = arith.cmpi sgt, %jit3A_82, %sign3A_94 : i32
    %sign3A_96 = arith.extui %sign3A_95 : i1 to i32
    %sign3A_97 = arith.constant 0 : i32
    %sign3A_98 = arith.cmpi slt, %jit3A_82, %sign3A_97 : i32
    %sign3A_99 = arith.extui %sign3A_98 : i1 to i32
    %sign3A_100 = arith.subi %sign3A_96, %sign3A_99 : i32
    %ne3A_101 = vector.broadcast %sign3A_100 : i32 to vector<1x1024x128xi32>
    %ne3A_102 = arith.cmpi ne, %sign3A_93, %ne3A_101 : vector<1x1024x128xi32>
    %rem3A_103 = vector.broadcast %jit3A_82 : i32 to vector<1x1024x128xi32>
    %rem3A_104 = arith.remsi %iota3A_81, %rem3A_103 : vector<1x1024x128xi32>
    %ne3A_105 = arith.constant 0 : i32
    %ne3A_106 = vector.broadcast %ne3A_105 : i32 to vector<1x1024x128xi32>
    %ne3A_107 = arith.cmpi ne, %rem3A_104, %ne3A_106 : vector<1x1024x128xi32>
    %and3A_108 = arith.andi %ne3A_102, %ne3A_107 : vector<1x1024x128xi1>
    %sub3A_109 = arith.constant 1 : i32
    %sub3A_110 = vector.broadcast %sub3A_109 : i32 to vector<1x1024x128xi32>
    %sub3A_111 = arith.subi %div3A_84, %sub3A_110 : vector<1x1024x128xi32>
    %select_n3A_112 = arith.select %and3A_108, %sub3A_111, %div3A_84 : vector<1x1024x128xi1>, vector<1x1024x128xi32>
    %add3A_113 = arith.addi %mul3A_80, %select_n3A_112 : vector<1x1024x128xi32>
    %get3A_114 = arith.constant 0 : index
    %get3A_115 = arith.constant 0 : index
    %get3A_116 = arith.constant 0 : index
    %get3A_117 = vector.load %arg4[%get3A_114, %get3A_115, %get3A_116] : memref<1x3x32xf32, #tpu.memory_space<vmem>>, vector<1x3x32xf32>
    %eq3A_118 = vector.broadcast %reduce_min3A_52 : i32 to vector<1x1024x128xi32>
    %eq3A_119 = arith.cmpi eq, %add3A_113, %eq3A_118 : vector<1x1024x128xi32>
    %jit3A_120 = arith.constant 0.000000e+00 : f32
    %broadcast_in_dim3A_121 = vector.broadcast %jit3A_120 : f32 to vector<1x1024x128xf32>
    %select_n3A_122 = arith.select %eq3A_119, %get3A_76, %broadcast_in_dim3A_121 : vector<1x1024x128xi1>, vector<1x1024x128xf32>
    %reduce_sum3A = arith.constant dense<0.000000e+00> : vector<1x128xf32>
    %reduce_sum3A_123 = vector.multi_reduction <add>, %select_n3A_122, %reduce_sum3A [1] : vector<1x1024x128xf32> to vector<1x128xf32>
    %iota3A_124 = tpu.iota {dimensions = array<i32: 0>} : vector<128x32xi32>
    %jit3A_125 = arith.constant 32 : i32
    %eq3A_126 = arith.constant 0 : i32
    %eq3A_127 = arith.cmpi eq, %jit3A_125, %eq3A_126 : i32
    %jit3A_128 = arith.constant 1 : i32
    %select_n3A_129 = arith.select %eq3A_127, %jit3A_128, %jit3A_125 : i32
    %rem3A_130 = vector.broadcast %select_n3A_129 : i32 to vector<128x32xi32>
    %rem3A_131 = arith.remsi %iota3A_124, %rem3A_130 : vector<128x32xi32>
    %ne3A_132 = arith.constant 0 : i32
    %ne3A_133 = vector.broadcast %ne3A_132 : i32 to vector<128x32xi32>
    %ne3A_134 = arith.cmpi ne, %rem3A_131, %ne3A_133 : vector<128x32xi32>
    %lt3A = arith.constant 0 : i32
    %lt3A_135 = vector.broadcast %lt3A : i32 to vector<128x32xi32>
    %lt3A_136 = arith.cmpi slt, %rem3A_131, %lt3A_135 : vector<128x32xi32>
    %lt3A_137 = arith.constant 0 : i32
    %lt3A_138 = arith.cmpi slt, %select_n3A_129, %lt3A_137 : i32
    %ne3A_139 = vector.broadcast %lt3A_138 : i1 to vector<128x32xi1>
    %ne3A_140 = vector.broadcast %ne3A_139 : vector<128x32xi1> to vector<128x32xi1>
    %ne3A_141 = arith.xori %lt3A_136, %ne3A_140 : vector<128x32xi1>
    %and3A_142 = arith.andi %ne3A_141, %ne3A_134 : vector<128x32xi1>
    %add3A_143 = vector.broadcast %select_n3A_129 : i32 to vector<128x32xi32>
    %add3A_144 = arith.addi %rem3A_131, %add3A_143 : vector<128x32xi32>
    %select_n3A_145 = arith.select %and3A_142, %add3A_144, %rem3A_131 : vector<128x32xi1>, vector<128x32xi32>
    %iota3A_146 = tpu.iota {dimensions = array<i32: 1>} : vector<128x32xi32>
    %eq3A_147 = arith.cmpi eq, %select_n3A_145, %iota3A_146 : vector<128x32xi32>
    %convert_element_type3A_148 = arith.extui %eq3A_147 : vector<128x32xi1> to vector<128x32xi32>
    %convert_element_type3A_149 = arith.sitofp %convert_element_type3A_148 : vector<128x32xi32> to vector<128x32xf32>
    %dot_general3A_150 = arith.constant dense<0.000000e+00> : vector<1x32xf32>
    %dot_general3A_151 = tpu.matmul %reduce_sum3A_123, %convert_element_type3A_149, %dot_general3A_150 {dimension_numbers = #tpu.dot_dimension_numbers<[1], [0], [0], [1], [0, 0, 1, 1], [], []>, transpose_lhs_hint = false} : vector<1x128xf32>, vector<128x32xf32>, vector<1x32xf32> -> vector<1x32xf32>
    %broadcast_in_dim3A_152 = vector.shape_cast %dot_general3A_151 : vector<1x32xf32> to vector<1x1x32xf32>
    %eq3A_153 = vector.broadcast %reduce_min3A_72 : i32 to vector<1x1024x128xi32>
    %eq3A_154 = arith.cmpi eq, %add3A_113, %eq3A_153 : vector<1x1024x128xi32>
    %jit3A_155 = arith.constant 0.000000e+00 : f32
    %broadcast_in_dim3A_156 = vector.broadcast %jit3A_155 : f32 to vector<1x1024x128xf32>
    %select_n3A_157 = arith.select %eq3A_154, %get3A_76, %broadcast_in_dim3A_156 : vector<1x1024x128xi1>, vector<1x1024x128xf32>
    %reduce_sum3A_158 = arith.constant dense<0.000000e+00> : vector<1x128xf32>
    %reduce_sum3A_159 = vector.multi_reduction <add>, %select_n3A_157, %reduce_sum3A_158 [1] : vector<1x1024x128xf32> to vector<1x128xf32>
    %iota3A_160 = tpu.iota {dimensions = array<i32: 0>} : vector<128x32xi32>
    %jit3A_161 = arith.constant 32 : i32
    %eq3A_162 = arith.constant 0 : i32
    %eq3A_163 = arith.cmpi eq, %jit3A_161, %eq3A_162 : i32
    %jit3A_164 = arith.constant 1 : i32
    %select_n3A_165 = arith.select %eq3A_163, %jit3A_164, %jit3A_161 : i32
    %rem3A_166 = vector.broadcast %select_n3A_165 : i32 to vector<128x32xi32>
    %rem3A_167 = arith.remsi %iota3A_160, %rem3A_166 : vector<128x32xi32>
    %ne3A_168 = arith.constant 0 : i32
    %ne3A_169 = vector.broadcast %ne3A_168 : i32 to vector<128x32xi32>
    %ne3A_170 = arith.cmpi ne, %rem3A_167, %ne3A_169 : vector<128x32xi32>
    %lt3A_171 = arith.constant 0 : i32
    %lt3A_172 = vector.broadcast %lt3A_171 : i32 to vector<128x32xi32>
    %lt3A_173 = arith.cmpi slt, %rem3A_167, %lt3A_172 : vector<128x32xi32>
    %lt3A_174 = arith.constant 0 : i32
    %lt3A_175 = arith.cmpi slt, %select_n3A_165, %lt3A_174 : i32
    %ne3A_176 = vector.broadcast %lt3A_175 : i1 to vector<128x32xi1>
    %ne3A_177 = vector.broadcast %ne3A_176 : vector<128x32xi1> to vector<128x32xi1>
    %ne3A_178 = arith.xori %lt3A_173, %ne3A_177 : vector<128x32xi1>
    %and3A_179 = arith.andi %ne3A_178, %ne3A_170 : vector<128x32xi1>
    %add3A_180 = vector.broadcast %select_n3A_165 : i32 to vector<128x32xi32>
    %add3A_181 = arith.addi %rem3A_167, %add3A_180 : vector<128x32xi32>
    %select_n3A_182 = arith.select %and3A_179, %add3A_181, %rem3A_167 : vector<128x32xi1>, vector<128x32xi32>
    %iota3A_183 = tpu.iota {dimensions = array<i32: 1>} : vector<128x32xi32>
    %eq3A_184 = arith.cmpi eq, %select_n3A_182, %iota3A_183 : vector<128x32xi32>
    %convert_element_type3A_185 = arith.extui %eq3A_184 : vector<128x32xi1> to vector<128x32xi32>
    %convert_element_type3A_186 = arith.sitofp %convert_element_type3A_185 : vector<128x32xi32> to vector<128x32xf32>
    %dot_general3A_187 = arith.constant dense<0.000000e+00> : vector<1x32xf32>
    %dot_general3A_188 = tpu.matmul %reduce_sum3A_159, %convert_element_type3A_186, %dot_general3A_187 {dimension_numbers = #tpu.dot_dimension_numbers<[1], [0], [0], [1], [0, 0, 1, 1], [], []>, transpose_lhs_hint = false} : vector<1x128xf32>, vector<128x32xf32>, vector<1x32xf32> -> vector<1x32xf32>
    %broadcast_in_dim3A_189 = vector.shape_cast %dot_general3A_188 : vector<1x32xf32> to vector<1x1x32xf32>
    %concatenate3A_190 = tpu.concatenate %get3A_117, %broadcast_in_dim3A_152, %broadcast_in_dim3A_189 in 1 : vector<1x3x32xf32>, vector<1x1x32xf32>, vector<1x1x32xf32> -> vector<1x5x32xf32>
    %swap3A = arith.constant 0 : index
    %swap3A_191 = arith.constant 0 : index
    %swap3A_192 = arith.constant 0 : index
    %swap3A_193 = vector.load %arg5[%swap3A, %swap3A_191, %swap3A_192] : memref<1x5x32xf32, #tpu.memory_space<vmem>>, vector<1x5x32xf32>
    tpu.vector_store %arg5[%swap3A, %swap3A_191, %swap3A_192], %concatenate3A_190 {strides = array<i32>} : memref<1x5x32xf32, #tpu.memory_space<vmem>>, vector<1x5x32xf32>,
    return
  }
  func.func @transform_0(%arg0: i32) -> (i32, i32, i32) {
    %c0_i32 = arith.constant 0 : i32
    %c0_i32_0 = arith.constant 0 : i32
    %c0_i32_1 = arith.constant 0 : i32
    return %arg0, %c0_i32, %c0_i32_0 : i32, i32, i32
  }
  func.func @transform_1(%arg0: i32) -> (i32, i32, i32) {
    %c0_i32 = arith.constant 0 : i32
    %c0_i32_0 = arith.constant 0 : i32
    %c0_i32_1 = arith.constant 0 : i32
    return %arg0, %c0_i32, %c0_i32_0 : i32, i32, i32
  }
  func.func @transform_2(%arg0: i32) -> (i32, i32, i32) {
    %c0_i32 = arith.constant 0 : i32
    %c0_i32_0 = arith.constant 0 : i32
    %c0_i32_1 = arith.constant 0 : i32
    return %arg0, %c0_i32, %c0_i32_0 : i32, i32, i32
  }
  func.func @transform_3(%arg0: i32) -> (i32, i32, i32) {
    %c0_i32 = arith.constant 0 : i32
    %c0_i32_0 = arith.constant 0 : i32
    %c0_i32_1 = arith.constant 0 : i32
    return %arg0, %c0_i32, %c0_i32_0 : i32, i32, i32
  }
  func.func @transform_4(%arg0: i32) -> (i32, i32, i32) {
    %c0_i32 = arith.constant 0 : i32
    %c0_i32_0 = arith.constant 0 : i32
    %c0_i32_1 = arith.constant 0 : i32
    return %arg0, %c0_i32, %c0_i32_0 : i32, i32, i32
  }
}

</mosaic_0001>

<sc_bundles>
// kernel: kernel.5.cloned.1.call-start
scs
__scs_entry_jumppad:
0x0: {  	(pc) =	sbr.rel $0x88, $3  }
0x1: {  	(tag) =	ssettag $0x0;
	lr =	simm.s32 $0x1  }
0x2: {  	[smem:$0x3F9D] =	sst lr;
	_ =	strace $0xD0000000  }
0x3: {  	_ = 	snop  }
0x4: {  	_ = 	snop  }
0x5: {  	_ = 	snop  }
0x6: {  	_ = 	snop  }
0x7: {  	_ = 	snop  }
__scs_overlays_trampoline_lowered:
0x8: {  	[smem:$0x3FAC] =	sst s0  }
0x9: {  	[smem:$0x3FAD] =	sst s1  }
0xa: {  	[smem:$0x3FAE] =	sst s2  }
0xb: {  	[smem:$0x3FAF] =	sst s3  }
0xc: {  	[smem:$0x3FB0] =	sst s4  }
0xd: {  	[smem:$0x3FB1] =	sst s5  }
0xe: {  	[smem:$0x3FB2] =	sst s6  }
0xf: {  	[smem:$0x3FB3] =	sst s7  }
0x10: {  	[smem:$0x3FB4] =	sst s8  }
0x11: {  	[smem:$0x3FB5] =	sst s9;
	s0 =	simm.s32 @!p0 $0x0  }
0x12: {  	s1 =	sld [smem:$0x3F9B];
	s0 =	simm.s32 @p0 $0x1  }
0x13: {  	[smem:$0x3FB6] =	sst s0;
	s0 =	simm.s32 @!p1 $0x0  }
0x14: {  	s2 =	sld [smem:$0x3F9A];
	s0 =	simm.s32 @p1 $0x1  }
0x15: {  	[smem:$0x3FB7] =	sst s0;
	s0 =	simm.s32 @!p2 $0x0  }
0x16: {  	s3 =	sld [smem:$0x3FDB];
	s0 =	simm.s32 @p2 $0x1  }
0x17: {  	s4 =	simm.s32 $0x1BF5;
	[smem:$0x3FB9] =	sst s0  }
0x18: {  	s0 =	sld [smem:$0x3F9C];
	_ =	swait.ge [sflag:s4], $0x0  }
0x19: {  	s7 =	sld [smem:$0x3F9D]  }
0x1a: {  	s8 =	sadd.s32 $0xFFFFE003, lr  }
0x1b: {  	s9 =	sadd.s32 $0xFFFFFEF7, lr;
	s5 =	simm.s32 $0xFFFFFFFF;
	p2 =	slt.u32 s8, $0xFFFFF086  }
0x1c: {  	p1 =	slt.u32 s9, $0xF7A;
	s5 =	simm.s32 @!p2 $0x0  }
0x1d: {  	s5 =	simm.s32 @p1 $0x1;
	p0 =	seq.s32 s7, s2  }
0x1e: {  	s7 =	smul.u32 @!p0 $0xF7A, s2;
	p2 =	seq.s32 @!p0 s5, $0x0  }
0x1f: {  	s9 =	smul.u32 $0xF7A, s1;
	s8 =	simm.s32 @!p0 $0x1BF5;
	p2 =	por !p2, p0  }
0x20: {  	[sflag:s8] =	ssyncset.s32 @!p0 $0xFFFFF086;
	s6 =	sadd.s32 @!p0 s3, s7;
	s7 =	simm.s32 @!p0 $0x108  }
0x21: {  	s3 =	sadd.s32 s3, s9;
	s6 =	sadd.s32 @!p0 $0x88, s6;
	s7 =	simm.s32 @p2 $0x1082  }
0x22: {  	[simem:s7], [sflag:s8] =	dma.local @!p0 [hbm:s6], $0xF7A  }
0x23: {  	s9 =	sor.u32 $0xD0000000, s2;
	s6 =	simm.s32 $0x108;
	_ =	swait.ge @!p0 [sflag:s8], $0x0  }
0x24: {  	s3 =	sadd.s32 $0x88, s3;
	s6 =	simm.s32 @!p1 $0x1082;
	[sflag:s4] =	ssyncset.s32 $0xFFFFF086  }
0x25: {  	[simem:s6], [sflag:s4] =	dma.local [hbm:s3], $0xF7A  }
0x26: {  	[smem:$0x3F9D] =	sst s1;
	(tag) =	ssettag s2;
	_ =	strace s9  }
0x27: {  	s1 =	sld [smem:$0x3FAD]  }
0x28: {  	s2 =	sld [smem:$0x3FAE]  }
0x29: {  	s4 =	sld [smem:$0x3FB0]  }
0x2a: {  	p0 =	seq.s32 s5, $0x0;
	s5 =	sld [smem:$0x3FB1]  }
0x2b: {  	s6 =	sld [smem:$0x3FB2]  }
0x2c: {  	s7 =	sld [smem:$0x3FB3]  }
0x2d: {  	s3 =	simm.s32 $0x108;
	s8 =	sld [smem:$0x3FB4]  }
0x2e: {  	s3 =	simm.s32 @!p0 $0x1082;
	s9 =	sld [smem:$0x3FB5]  }
0x2f: {  	lr =	sadd.s32 s0, s3;
	s0 =	sld [smem:$0x3FAC]  }
0x30: {  	s3 =	sld [smem:$0x3FAF]  }
0x31: {  	[smem:$0x3FB8] =	sst s10  }
0x32: {  	s10 =	sld [smem:$0x3FB6];
	_ =	sdelay $0x3  }
0x33: {  	p0 =	seq.s32 s10, $0x1;
	s10 =	sld [smem:$0x3FB8];
	_ =	sdelay $0x3  }
0x34: {  	[smem:$0x3FB8] =	sst s10  }
0x35: {  	s10 =	sld [smem:$0x3FB7];
	_ =	sdelay $0x3  }
0x36: {  	p1 =	seq.s32 s10, $0x1;
	s10 =	sld [smem:$0x3FB8];
	_ =	sdelay $0x3  }
0x37: {  	[smem:$0x3FB8] =	sst s10  }
0x38: {  	s10 =	sld [smem:$0x3FB9]  }
0x39: {  	_ = 	snop;
	(pc) =	sbr.ind lr, $3  }
0x3a: {  	_ = 	snop  }
0x3b: {  	_ = 	snop  }
0x3c: {  	p2 =	seq.s32 s10, $0x1;
	s10 =	sld [smem:$0x3FB8]  }
0x3d: {  	_ =	shalt  }
0x3e: {  	_ =	shalt  }
0x3f: {  	_ =	shalt  }
0x40: {  	_ =	shalt  }
0x41: {  	_ =	shalt  }
0x42: {  	_ =	shalt  }
0x43: {  	_ =	shalt  }
0x44: {  	_ =	shalt  }
0x45: {  	_ =	shalt  }
0x46: {  	_ =	shalt  }
0x47: {  	_ =	shalt  }
0x48: {  	_ =	shalt  }
0x49: {  	_ =	shalt  }
0x4a: {  	_ =	shalt  }
0x4b: {  	_ =	shalt  }
0x4c: {  	_ =	shalt  }
0x4d: {  	_ =	shalt  }
0x4e: {  	_ =	shalt  }
0x4f: {  	_ =	shalt  }
0x50: {  	_ =	shalt  }
0x51: {  	_ =	shalt  }
0x52: {  	_ =	shalt  }
0x53: {  	_ =	shalt  }
0x54: {  	_ =	shalt  }
0x55: {  	_ =	shalt  }
0x56: {  	_ =	shalt  }
0x57: {  	_ =	shalt  }
0x58: {  	_ =	shalt  }
0x59: {  	_ =	shalt  }
0x5a: {  	_ =	shalt  }
0x5b: {  	_ =	shalt  }
0x5c: {  	_ =	shalt  }
0x5d: {  	_ =	shalt  }
0x5e: {  	_ =	shalt  }
0x5f: {  	_ =	shalt  }
0x60: {  	_ =	shalt  }
0x61: {  	_ =	shalt  }
0x62: {  	_ =	shalt  }
0x63: {  	_ =	shalt  }
0x64: {  	_ =	shalt  }
0x65: {  	_ =	shalt  }
0x66: {  	_ =	shalt  }
0x67: {  	_ =	shalt  }
0x68: {  	_ =	shalt  }
0x69: {  	_ =	shalt  }
0x6a: {  	_ =	shalt  }
0x6b: {  	_ =	shalt  }
0x6c: {  	_ =	shalt  }
0x6d: {  	_ =	shalt  }
0x6e: {  	_ =	shalt  }
0x6f: {  	_ =	shalt  }
0x70: {  	_ =	shalt  }
0x71: {  	_ =	shalt  }
0x72: {  	_ =	shalt  }
0x73: {  	_ =	shalt  }
0x74: {  	_ =	shalt  }
0x75: {  	_ =	shalt  }
0x76: {  	_ =	shalt  }
0x77: {  	_ =	shalt  }
0x78: {  	_ =	shalt  }
0x79: {  	_ =	shalt  }
0x7a: {  	_ =	shalt  }
0x7b: {  	_ =	shalt  }
0x7c: {  	_ =	shalt  }
0x7d: {  	_ =	shalt  }
0x7e: {  	_ =	shalt  }
0x7f: {  	_ =	shalt  }
0x80: {  	_ =	shalt  }
0x81: {  	_ =	shalt  }
0x82: {  	_ =	shalt  }
0x83: {  	_ =	shalt  }
0x84: {  	_ =	shalt  }
0x85: {  	_ =	shalt  }
0x86: {  	_ =	shalt  }
0x87: {  	_ =	shalt  }
.Lfunc_end0:
.L_simem_size_0:
called_computation_lowered:
.L_overlay_start_0:
0x88: {  	s2 =	sld [smem:$0x3FD9]  }
0x89: {  	s3 =	sld [smem:$0x3FFE];
	_ =	sdelay $0x1  }
0x8a: {  	s1 =	srdreg.scid  }
0x8b: {  	s0 =	sand.u32 $0x1, s1  }
0x8c: {  	s17 =	sshll.u32 s0, $0xA;
	s2 =	sadd.s32 s3, s2  }
0x8d: {  	s2 =	sadd.s32 s2, s17  }
0x8e: {  	[smem:$0x3FC4] =	sst s2  }
0x8f: {  	_ = 	snop  }
0x90: {  	s2 =	sld [smem:$0x3FD0];
	(tm) =	ssettm $0x1  }
0x91: {  	s18 =	sld [smem:$0x3FFB];
	_ =	sdelay $0x3  }
0x92: {  	_ =	strace s18  }
0x93: {  	s3 =	sld [smem:$0x3FFC];
	_ =	sdelay $0x3  }
0x94: {  	_ =	strace s3  }
0x95: {  	s3 =	sld [smem:$0x3FFD];
	_ =	sdelay $0x3  }
0x96: {  	_ =	strace s3  }
0x97: {  	_ =	strace $0x8FFFFFFF  }
0x98: {  	s19 =	sld [smem:$0x3FDB];
	_ =	sdelay $0x1  }
0x99: {  	s4 =	simm.s32 $_scs_section_size  }
0x9a: {  	s5 =	simm.s32 $_size__tile_overlayer_lowered;
	s6 =	simm.s32 $_tile_overlayer_lowered  }
0x9b: {  	s22 =	simm.s32 $0x1BFF;
	s21 =	sshll.u32 s6, $0x1;
	s3 =	sadd.s32 s4, s19  }
0x9c: {  	s7 =	simm.s32 $0x0;
	s20 =	sshll.u32 s5, $0x1;
	s5 =	sadd.s32 s21, s3  }
0x9d: {  	[timem:s7], [sflag:s22] =	dma.local [hbm:s5], s20  }
0x9e: {  	_ =	swait.ge [sflag:s22], s20  }
0x9f: {  	s4 =	ssub.s32 $0x0, s20;
	[sflag:s22] =	ssyncset.done $0x0  }
0xa0: {  	[sflag:s22] =	ssyncadd.s32 s4;
	_ =	sdelay $0x1  }
0xa1: {  	s23 =	simm.s32 $0x1B8B  }
0xa2: {  	_ =	swait.ge [sflag:s23], $0x1  }
0xa3: {  	[sflag:s23] =	ssyncset.done $0x0  }
0xa4: {  	s25 =	simm.s32 $0x1B8E;
	s24 =	sld [smem:$0x3FFE];
	[sflag:s23] =	ssyncadd.s32 $0xFFFFFFFF  }
0xa5: {  	s26 =	simm.s32 $execute0_lowered;
	[smem:$0x3FD2] =	sst s25  }
0xa6: {  	s5 =	sshll.u32 s26, $0x1;
	_ =	strace $0x80000046;
	[dreg:$0x1] =	wrdreg $0xFFFFFFFF  }
0xa7: {  	s28 =	simm.s32 $_size_execute0_lowered;
	s3 =	sadd.s32 s3, s5;
	[dreg:$0x0] =	wrdreg $0x0  }
0xa8: {  	s5 =	sshll.u32 s28, $0x1;
	[dreg:$0x2] =	wrdreg s3  }
0xa9: {  	[dreg:$0x3] =	wrdreg s5  }
0xaa: {  	[dreg:$0x4] =	wrdreg $0xC0  }
0xab: {  	_ =	task [dreg:s7], $0x5FFFF  }
0xac: {  	[dreg:$0x1] =	wrdreg $0xFFFFFFFF  }
0xad: {  	[dreg:$0x0] =	wrdreg $0x60  }
0xae: {  	[dreg:$0x2] =	wrdreg s24  }
0xaf: {  	[dreg:$0x3] =	wrdreg s2  }
0xb0: {  	[dreg:$0x4] =	wrdreg $0x9  }
0xb1: {  	_ =	task.clear_ibuf [dreg:s7], $0x5FFFF;
	_ =	strace $0x90000046  }
0xb2: {  	s29 =	simm.s32 $0x9;
	_ =	strace $0x80000048  }
0xb3: {  	_ =	swait.ge [sflag:s29], $0x1  }
0xb4: {  	[sflag:s29] =	ssyncadd.s32 $0xFFFFFFFF  }
0xb5: {  	_ =	strace $0x90000048  }
0xb6: {  	_ =	sfence  }
0xb7: {  	s30 =	sld [smem:$0x0];
	_ =	sdelay $0x2  }
0xb8: {  	s31 =	sshll.u32 s1, $0xD;
	s1 =	sshrl.u32 s1, $0x2  }
0xb9: {  	s3 =	sand.u32 $0x4000, s31;
	s1 =	sadd.s32 s1, s30  }
0xba: {  	s0 =	sor.u32 s3, s0;
	s1 =	sshll.u32 s1, $0x11  }
0xbb: {  	s0 =	sor.u32 s1, s0  }
0xbc: {  	s0 =	sadd.s32 $0x8F2B, s0  }
0xbd: {  	[sflag:s0] =	ssyncadd.remote.s32 $0x1  }
0xbe: {  	_ =	sfence.sel $0xFFFF  }
0xbf: {  	[dreg:$0x0] =	wrdreg $0xFFFFFFFF;
	(pc) =	sbr.abs _section_cstart, $3  }
0xc0: {  	[dreg:$0x1] =	wrdreg $0xFFFFFFFF  }
0xc1: {  	_ =	task.clear_ibuf [dreg:s7], $0x2FFFF;
	_ =	strace $0x9FFFFFFF  }
0xc2: {  	(tm) =	ssettm $0x7FFFFFFF  }
0xc3: {  	_ =	shalt  }
tec
execute0_lowered:
.L_overlay_start_1:
0x0: {  	(tag) =	ssettag $0x1  }
0x1: {  	s3 =	rddreg [dreg:$0x0]  }
0x2: {  	s2 =	rddreg [dreg:$0x1];
	s4 =	simm.s32 $0x0  }
0x3: {  	[smem:$0x7FF] =	sst s4  }
0x4: {  	s0 =	rddreg [dreg:$0x2];
	v0 =	vimm.f32 $3.000000000e+00;
	_ =	strace $0x80000047  }
0x5: {  	(erf) = vrcp.f32 v0;
	_ =	sdelay $0x1  }
0x6: {  	s1 =	srdreg.scid  }
0x7: {  	s1 =	sand.u32 $0x1, s1  }
0x8: {  	p0 =	seq.s32 s1, $0x1  }
.Ltmp0:
0x9: {  	_ = 	snop;
	(pc) =	sbr.rel @p0 .LBB2_4-.Ltmp0, $2  }
0xa: {  	_ =	sdelay $0x2  }
0xb: {  	s1 =	stileid.u32;
	v0 =	vpop (erf)  }
0xc: {  	s5 =	sadd.s32 $0x2000, s3;
	s6 =	sshll.u32 s1, $0x9  }
0xd: {  	s29 =	simm.s32 $0x3;
	s5 =	sadd.s32 s5, s6  }
0xe: {  	[tilespmem:s4], [sflag:$0x3] =	stream.linear.gather [hbm4b:s5+s4], $0x1000, $0x38;
	[tilespmem:$0x1420] =	vst v63  }
0xf: {  	_ =	swait.ge [sflag:s29], $0x1000  }
0x10: {  	[sflag:s29] =	ssyncset.done $0x0  }
0x11: {  	[sflag:s29] =	ssyncadd.s32 $0xFFFFF000  }
0x12: {  	v2 =	vld [tilespmem:s4+$0x0];
	_ =	sdelay $0x1  }
0x13: {  	s30 =	sshll.u32 s1, $0xE;
	s31 =	sshll.u32 s1, $0x2;
	s7 =	smul.u32 $0xC, s1;
	v9 =	vlaneseq.u32  }
0x14: {  	v4 =	vimm.f32 $+Inf;
	v3 =	vimm.s32 $0x0;
	v6 =	vimm.f32 $+Inf;
	s8 =	sadd.s32 s30, s3;
	s6 =	sadd.s32 s31, s3  }
0x15: {  	v5 =	vimm.s32 $0x0;
	v8 =	vimm.f32 $+Inf;
	v7 =	vimm.s32 $0x0;
	s5 =	sadd.s32 $0x4000, s8;
	s3 =	sadd.s32 s2, s7;
	s2 =	sadd.s32 $0x44000, s6  }
0x16: {  	v1 =	vor.u32 s4, v9;
	s6 =	simm.s32 $0x10;
	s7 =	simm.s32 $0x10;
	s4 =	sadd.s32 $0x102000, s8;
	vm1 =	vlt.f32 v2, v4;
	vm0 =	vlt.f32 v2, v4  }
.LBB2_2:
0x17: {  	v10 =	vld [tilespmem:s7+$0x0];
	p0 =	sne.s32 s6, $0xFF0;
	vm2 =	vlt.f32 v2, v4;
	v6 =	vsel vm0, v2, v6;
	v3 =	vsel vm0, v1, v3;
	s8 =	smov.u32 s6;
	s6 =	sadd.s32 $0x10, s6  }
.Ltmp1:
0x18: {  	v6 =	vsel vm2, v4, v6;
	v4 =	vsel vm2, v2, v4;
	v11 =	vsel vm2, v1, v5;
	(pc) =	sbr.rel @p0 .LBB2_2-.Ltmp1, $3  }
0x19: {  	v3 =	vsel vm2, v5, v3;
	v4 =	vsel vm1, v8, v4;
	v5 =	vsel vm1, v7, v11  }
0x1a: {  	v8 =	vsel vm1, v2, v8;
	v7 =	vsel vm1, v1, v7;
	_ =	sdelay $0x1  }
0x1b: {  	s7 =	sadd.s32 $0x10, s7;
	v1 =	vor.u32 s8, v9;
	vm1 =	vlt.f32 v10, v8;
	vm0 =	vlt.f32 v10, v6;
	v2 =	vmovc v10  }
0x1c: {  	v9 =	vsel vm1, v2, v8  }
0x1d: {  	(xrf0) =	vmin.scan.msk.f32 $0xffff, v9;
	_ =	sdelay $0x5  }
0x1e: {  	v10, _, _ =	vpop (xrf0)  }
0x1f: {  	v10 =	vbroadcast v10, $0xF  }
0x20: {  	v11 =	vsel vm1, v1, v7  }
0x21: {  	v37 =	vxor.u32 $0x80000000, v11;
	vm2 =	veq.f32 v9, v10  }
0x22: {  	v10 =	vnsel vm2, $0xC0000000, v37  }
0x23: {  	(xrf0) =	vmin.scan.msk.u32 $0xffff, v10;
	_ =	sdelay $0x5  }
0x24: {  	v10, _, _ =	vpop (xrf0)  }
0x25: {  	(v2sf) =	vpush v10, $0xF;
	_ =	sdelay $0xe  }
0x26: {  	s6 =	spop (v2sf)  }
0x27: {  	vm3 =	vlt.f32 v2, v4;
	s6 =	sxor.u32 $0x80000000, s6  }
0x28: {  	v38 =	vsel vm3, v2, v4;
	vm4 =	veq.s32 v11, s6  }
0x29: {  	v39 =	vsel vm1, v8, v38;
	vm2 =	vmand vm2, vm4  }
0x2a: {  	v9 =	vsel vm2, v39, v9  }
0x2b: {  	(xrf0) =	vmin.scan.msk.f32 $0xffff, v9;
	_ =	sdelay $0x5  }
0x2c: {  	v40 =	vsel vm3, v1, v5;
	v12, _, _ =	vpop (xrf0)  }
0x2d: {  	v41 =	vsel vm1, v7, v40;
	v42 =	vbroadcast v12, $0xF  }
0x2e: {  	v11 =	vsel vm2, v41, v11  }
0x2f: {  	v43 =	vxor.u32 $0x80000000, v11;
	vm9 =	veq.f32 v9, v42  }
0x30: {  	v10 =	vnsel vm9, $0xC0000000, v43  }
0x31: {  	(xrf0) =	vmin.scan.msk.u32 $0xffff, v10;
	_ =	sdelay $0x5  }
0x32: {  	v10, _, _ =	vpop (xrf0)  }
0x33: {  	(v2sf) =	vpush v10, $0xF;
	_ =	sdelay $0xe  }
0x34: {  	s7 =	spop (v2sf)  }
0x35: {  	v44 =	vsel vm0, v2, v6;
	s7 =	sxor.u32 $0x80000000, s7  }
0x36: {  	v2 =	vsel vm3, v4, v44;
	vm10 =	veq.s32 v11, s7  }
0x37: {  	v2 =	vsel vm2, v2, v39;
	vm1 =	vmand vm9, vm10  }
0x38: {  	v2 =	vsel vm1, v2, v9  }
0x39: {  	(xrf0) =	vmin.scan.msk.f32 $0xffff, v2;
	_ =	sdelay $0x4  }
0x3a: {  	v45 =	vsel vm0, v1, v3  }
0x3b: {  	v1 =	vsel vm3, v5, v45;
	v46, _, _ =	vpop (xrf0)  }
0x3c: {  	v1 =	vsel vm2, v1, v41;
	v3 =	vbroadcast v46, $0xF  }
0x3d: {  	v1 =	vsel vm1, v1, v11  }
0x3e: {  	v1 =	vxor.u32 $0x80000000, v1;
	vm11 =	veq.f32 v2, v3  }
0x3f: {  	v1 =	vnsel vm11, $0xC0000000, v1  }
0x40: {  	(xrf0) =	vmin.scan.msk.u32 $0xffff, v1;
	_ =	sdelay $0x5  }
0x41: {  	v1, _, _ =	vpop (xrf0)  }
0x42: {  	(v2sf) =	vpush v1, $0xF;
	_ =	sdelay $0xd  }
0x43: {  	vm12 =	vcmask $0x300;
	v47 =	vmov s6  }
0x44: {  	vm13 =	vcmask $0x704;
	v48 =	vlaneseq.u32;
	v1 =	vnsel vm12, $0x0, v47;
	s23 =	spop (v2sf)  }
0x45: {  	vm14 =	veq.s32 v48, $0x2;
	v1 =	vsel vm13, s7, v1;
	s6 =	sxor.u32 $0x80000000, s23  }
0x46: {  	v1 =	vsel vm14, s6, v1;
	_ =	sdelay $0x3  }
0x47: {  	vm15 =	vmmov $0xffff;
	s24 =	simm.s32 $0x0;
	s25 =	simm.s32 $0x1000  }
0x48: {  	[tilespmem:s25], [sflag:$0x1] =	stream.indirect_vreg.gather [hbm4b:s5+s24], $0x20, v1, vm15, $0xb8;
	[tilespmem:$0x1420] =	vst v63  }
0x49: {  	s26 =	simm.s32 $0x1200;
	s28 =	simm.s32 $0x1  }
0x4a: {  	[tilespmem:s26], [sflag:$0x2] =	stream.indirect_vreg.gather [hbm4b:s4+s24], $0x20, v1, vm15, $0xb8;
	[tilespmem:$0x1420] =	vst v63  }
0x4b: {  	_ =	swait.ge [sflag:s28], $0x200  }
0x4c: {  	[sflag:s28] =	ssyncset.done $0x0  }
0x4d: {  	s29 =	simm.s32 $0x2;
	[sflag:s28] =	ssyncadd.s32 $0xFFFFFE00  }
0x4e: {  	_ =	swait.ge [sflag:s29], $0x200  }
0x4f: {  	[sflag:s29] =	ssyncset.done $0x0  }
0x50: {  	[sflag:s29] =	ssyncadd.s32 $0xFFFFFE00  }
0x51: {  	v49 =	vld [tilespmem:$0x1200]  }
0x52: {  	v50 =	vld [tilespmem:$0x1220]  }
0x53: {  	v52 =	vld [tilespmem:$0x1210]  }
0x54: {  	v54 =	vld [tilespmem:$0x1240]  }
0x55: {  	v55 =	vld [tilespmem:$0x1230]  }
0x56: {  	v56 =	vld [tilespmem:$0x1250];
	_ =	sdelay $0x2  }
0x57: {  	v51 =	vshrl.u32 v49, $0x10;
	v53 =	vshrl.u32 v50, $0x10;
	v57 =	vshrl.u32 v52, $0x10  }
0x58: {  	v58 =	vshrl.u32 v54, $0x10;
	v59 =	vshrl.u32 v55, $0x10;
	v3 =	vand.u32 $0x1, v51  }
0x59: {  	v61 =	vshrl.u32 v56, $0x10;
	v7 =	vand.u32 $0x1, v57;
	v1 =	vadd.s32 v3, v49  }
0x5a: {  	v60 =	vand.u32 $0x1, v59;
	v3 =	vand.u32 $0x1, v53;
	v1 =	vadd.s32 $0x7FFF, v1  }
0x5b: {  	v6 =	vand.u32 $0x1, v61;
	v2 =	vadd.s32 v3, v50;
	v1 =	vand.u32 $0xFFFF0000, v1  }
0x5c: {  	v4 =	vadd.s32 v7, v52;
	v2 =	vadd.s32 $0x7FFF, v2;
	v1 =	vadd.f32 $0.0e+00, v1  }
0x5d: {  	v5 =	vadd.s32 v60, v55;
	v4 =	vadd.s32 $0x7FFF, v4;
	v2 =	vand.u32 $0xFFFF0000, v2  }
0x5e: {  	v4 =	vand.u32 $0xFFFF0000, v4;
	v1 =	vadd.f32 v2, v1;
	v2 =	vand.u32 $0x1, v58  }
0x5f: {  	v5 =	vadd.s32 $0x7FFF, v5;
	v4 =	vadd.f32 $0.0e+00, v4;
	v2 =	vadd.s32 v2, v54  }
0x60: {  	v3 =	vadd.s32 v6, v56;
	v5 =	vand.u32 $0xFFFF0000, v5;
	v2 =	vadd.s32 $0x7FFF, v2  }
0x61: {  	v3 =	vadd.s32 $0x7FFF, v3;
	v4 =	vadd.f32 v5, v4;
	v2 =	vand.u32 $0xFFFF0000, v2  }
0x62: {  	v62 =	vand.u32 $0xFFFF0000, v3;
	v1 =	vadd.f32 v2, v1  }
0x63: {  	v2 =	vadd.f32 v62, v4  }
0x64: {  	v1 =	vmul.f32 v1, v0  }
0x65: {  	v63 =	vmul.f32 v2, v0  }
0x66: {  	[tilespmem:$0x1400] =	vst v1  }
0x67: {  	s30 =	simm.s32 $0x3;
	[tilespmem:$0x1410] =	vst v63  }
0x68: {  	[hbm4b:s3+s24] =	stream.linear.scatter [tilespmem:s25], [sflag:$0x3], $0x60, $0x38;
	[tilespmem:$0x1420] =	vst v63  }
0x69: {  	_ =	swait.ge [sflag:s30], $0x60  }
0x6a: {  	[sflag:s30] =	ssyncset.done $0x0  }
0x6b: {  	s31 =	simm.s32 $0x1400;
	[sflag:s30] =	ssyncadd.s32 $0xFFFFFFA0  }
0x6c: {  	[hbm4b:s2+s24] =	stream.linear.scatter [tilespmem:s31], [sflag:$0x3], $0x20, $0x38;
	[tilespmem:$0x1420] =	vst v63  }
0x6d: {  	_ =	swait.ge [sflag:s30], $0x20  }
0x6e: {  	[sflag:s30] =	ssyncset.done $0x0  }
0x6f: {  	[sflag:s30] =	ssyncadd.s32 $0xFFFFFFE0  }
.LBB2_4:
0x70: {  	_ =	sfence.sel $0x180000  }
0x71: {  	[bflag:$0x0] =	sbarrier.arrive $0xFFFF  }
0x72: {  	p0 =	sne.s32 s1, $0x0;
	_ =	strace $0x90000047  }
0x73: {  	s0 =	sadd.s32 @!p0 $0x100000, s0;
	[bflag:$0x2] =	sbarrier.arrive $0xFFFF  }
0x74: {  	[sflag:s0] =	ssyncadd.tile.s32 @!p0 $0x1;
	_ =	shalt  }
.Lfunc_end2:
_tile_overlayer_lowered:
.L_overlay_start_2:
0x75: {  	(tag) =	ssettag $0x2  }
0x76: {  	s0 =	rddreg [dreg:$0x0];
	s2 =	stileid.u32  }
0x77: {  	s1 =	rddreg [dreg:$0x1];
	p0 =	sne.s32 s2, $0x0  }
0x78: {  	s3 =	rddreg [dreg:$0x2];
	[bflag:$0x3] =	sbarrier.arrive $0xFFFF;
	s2 =	simm.s32 @!p0 $0x1C03  }
0x79: {  	[timem:s3], [sflag:s2] =	dma.local @!p0 [hbm:s0], s1  }
0x7a: {  	s0 =	simm.s32 @!p0 $0x3  }
0x7b: {  	_ =	swait.ge @!p0 [sflag:s0], s1  }
0x7c: {  	s1 =	ssub.s32 @!p0 $0x0, s1;
	[sflag:s0] =	ssyncset.done @!p0 $0x0  }
0x7d: {  	[sflag:s0] =	ssyncadd.s32 @!p0 s1  }
0x7e: {  	[bflag:$0x3] =	sbarrier.arrive $0xFFFF  }
0x7f: {  	_ =	shalt  }

</sc_bundles>
